<compile_context>
chip_gen: v7x
topology: tpu7x:2x2x1
jax: 0.10.2.dev20260603
libtpu: 0.0.44.dev20260713+nightly
codegen_flags: <defaults>
</compile_context>

<pallas_src>
import functools

import jax
import jax.numpy as jnp
import numpy as np
from jax.experimental import pallas as pl
from jax.experimental.pallas import tpu as pltpu

N = 32768
K = 32
R0 = 0.2
R1 = 0.5
M1 = N // K
M2 = M1 // K
D0 = 64
D1 = 128


def _fps_kernel(px_ref, py_ref, pz_ref,
                p1x_ref, p1y_ref, p1z_ref, p2x_ref, p2y_ref, p2z_ref,
                mind_ref):
    rows = jax.lax.broadcasted_iota(jnp.int32, (256, 128), 0)
    cols = jax.lax.broadcasted_iota(jnp.int32, (256, 128), 1)
    iof = rows * 128 + cols
    r1 = jax.lax.broadcasted_iota(jnp.int32, (8, 128), 0)
    c1 = jax.lax.broadcasted_iota(jnp.int32, (8, 128), 1)
    io1 = r1 * 128 + c1

    px = px_ref[...]
    py = py_ref[...]
    pz = pz_ref[...]

    def _sel_coord(arr, oh):
        return jnp.sum(jnp.where(oh, arr, 0.0))

    oh0 = iof == 0
    qx = _sel_coord(px, oh0)
    qy = _sel_coord(py, oh0)
    qz = _sel_coord(pz, oh0)
    dx = px - qx
    dy = py - qy
    dz = pz - qz
    mind_ref[...] = (dx * dx + dy * dy) + dz * dz
    ohw = io1 == 0
    p1x_ref[...] = jnp.where(ohw, qx, 0.0)
    p1y_ref[...] = jnp.where(ohw, qy, 0.0)
    p1z_ref[...] = jnp.where(ohw, qz, 0.0)

    def body(i, _):
        mind = mind_ref[...]
        m = jnp.max(mind)
        nxt = jnp.min(jnp.where(mind == m, iof, (2**30)))
        oh = iof == nxt
        qx = _sel_coord(px, oh)
        qy = _sel_coord(py, oh)
        qz = _sel_coord(pz, oh)
        dx = px - qx
        dy = py - qy
        dz = pz - qz
        d = (dx * dx + dy * dy) + dz * dz
        mind_ref[...] = jnp.minimum(mind, d)
        ohw = io1 == i
        p1x_ref[...] = jnp.where(ohw, qx, p1x_ref[...])
        p1y_ref[...] = jnp.where(ohw, qy, p1y_ref[...])
        p1z_ref[...] = jnp.where(ohw, qz, p1z_ref[...])
        return 0

    jax.lax.fori_loop(1, M1, body, 0)

    gx = p1x_ref[...]
    gy = p1y_ref[...]
    gz = p1z_ref[...]
    oh0b = io1 == 0
    qx = _sel_coord(gx, oh0b)
    qy = _sel_coord(gy, oh0b)
    qz = _sel_coord(gz, oh0b)
    dx = gx - qx
    dy = gy - qy
    dz = gz - qz
    mind2 = (dx * dx + dy * dy) + dz * dz
    p2x_ref[...] = jnp.where(oh0b, qx, 0.0)
    p2y_ref[...] = jnp.where(oh0b, qy, 0.0)
    p2z_ref[...] = jnp.where(oh0b, qz, 0.0)

    def body2(i, mind2):
        m = jnp.max(mind2)
        nxt = jnp.min(jnp.where(mind2 == m, io1, (2**30)))
        oh = io1 == nxt
        qx = _sel_coord(gx, oh)
        qy = _sel_coord(gy, oh)
        qz = _sel_coord(gz, oh)
        dx = gx - qx
        dy = gy - qy
        dz = gz - qz
        d = (dx * dx + dy * dy) + dz * dz
        ohw = io1 == i
        p2x_ref[...] = jnp.where(ohw, qx, p2x_ref[...])
        p2y_ref[...] = jnp.where(ohw, qy, p2y_ref[...])
        p2z_ref[...] = jnp.where(ohw, qz, p2z_ref[...])
        return jnp.minimum(mind2, d)

    jax.lax.fori_loop(1, M2, body2, mind2)


def _fps_pallas(points):
    px = points[:, 0].reshape(256, 128)
    py = points[:, 1].reshape(256, 128)
    pz = points[:, 2].reshape(256, 128)
    shp = jax.ShapeDtypeStruct((8, 128), jnp.float32)
    outs = pl.pallas_call(
        _fps_kernel,
        out_shape=(shp,) * 6,
        scratch_shapes=[pltpu.VMEM((256, 128), jnp.float32)],
    )(px, py, pz)
    p1 = jnp.stack([o.reshape(M1) for o in outs[:3]], axis=1)
    p2 = jnp.stack([o.reshape(M1)[:M2] for o in outs[3:]], axis=1)
    return p1, p2


def _d2_kernel(y_ref, x_ref, o_ref):
    y = y_ref[...]
    x = x_ref[...]
    yy = y[:, 0:1] * y[:, 0:1] + y[:, 1:2] * y[:, 1:2] + y[:, 2:3] * y[:, 2:3]
    xx = x[:, 0:1] * x[:, 0:1] + x[:, 1:2] * x[:, 1:2] + x[:, 2:3] * x[:, 2:3]
    m = jax.lax.dot_general(y, x, (((1,), (1,)), ((), ())),
                            preferred_element_type=jnp.float32)
    o_ref[...] = (yy + xx.T) - 2.0 * m


def _d2_pallas(y, x):
    My, Nx = y.shape[0], x.shape[0]
    QB = min(My, 256)
    CB = min(Nx, 4096)
    return pl.pallas_call(
        _d2_kernel,
        grid=(My // QB, Nx // CB),
        in_specs=[
            pl.BlockSpec((QB, 3), lambda i, j: (i, 0)),
            pl.BlockSpec((CB, 3), lambda i, j: (j, 0)),
        ],
        out_specs=pl.BlockSpec((QB, CB), lambda i, j: (i, j)),
        out_shape=jax.ShapeDtypeStruct((My, Nx), jnp.float32),
    )(y, x)


def _sc_gather_points(px, py, pz, idx):
    from jax.experimental.pallas import tpu_sc as plsc
    B = idx.shape[0]
    info = plsc.get_sparse_core_info()
    NW = info.num_cores * info.num_subcores
    bpw = B // NW
    mesh = plsc.VectorSubcoreMesh(core_axis_name="c", subcore_axis_name="s")

    @functools.partial(
        pl.kernel, mesh=mesh,
        out_type=[jax.ShapeDtypeStruct((B,), jnp.float32)] * 3,
        scratch_types=[
            pltpu.VMEM((bpw,), jnp.int32),
            pltpu.VMEM((bpw,), jnp.float32),
            pltpu.VMEM((bpw,), jnp.float32),
            pltpu.VMEM((bpw,), jnp.float32),
            pltpu.SemaphoreType.DMA,
        ],
    )
    def k(px_hbm, py_hbm, pz_hbm, idx_hbm, ox_hbm, oy_hbm, oz_hbm,
          idx_v, xv, yv, zv, sem):
        wid = jax.lax.axis_index("s") * info.num_cores + jax.lax.axis_index("c")
        base = wid * bpw
        pltpu.sync_copy(idx_hbm.at[pl.ds(base, bpw)], idx_v)
        pltpu.async_copy(px_hbm.at[idx_v], xv, sem).wait()
        pltpu.async_copy(py_hbm.at[idx_v], yv, sem).wait()
        pltpu.async_copy(pz_hbm.at[idx_v], zv, sem).wait()
        pltpu.sync_copy(xv, ox_hbm.at[pl.ds(base, bpw)])
        pltpu.sync_copy(yv, oy_hbm.at[pl.ds(base, bpw)])
        pltpu.sync_copy(zv, oz_hbm.at[pl.ds(base, bpw)])

    ox, oy, oz = k(px, py, pz, idx)
    return jnp.stack([ox, oy, oz], axis=1)


def _knn_radius(x, y, r, k):
    d2 = (jnp.sum(y * y, axis=1)[:, None] + jnp.sum(x * x, axis=1)[None, :]
          - 2.0 * (y @ x.T))
    neg, idx = jax.lax.top_k(-d2, k)
    valid = (-neg) <= r * r
    return idx, valid


_QB0 = 8
_NR = N // 128


def _knn0_kernel(y_ref, xt_ref, idx_ref, mval_ref, d2_ref):
    y = y_ref[...]
    xt = xt_ref[...]
    yy = y[:, 0:1] * y[:, 0:1] + y[:, 1:2] * y[:, 1:2] + y[:, 2:3] * y[:, 2:3]
    xx = xt[0:1, :] * xt[0:1, :] + xt[1:2, :] * xt[1:2, :] + xt[2:3, :] * xt[2:3, :]
    mm = jnp.dot(y, xt, preferred_element_type=jnp.float32)
    d2 = ((yy + xx) - 2.0 * mm).reshape(_QB0, _NR, 128)
    d2_ref[...] = d2
    bm = jnp.min(d2, axis=2)
    io_bm = jax.lax.broadcasted_iota(jnp.int32, (_QB0, _NR), 1)
    io32 = jax.lax.broadcasted_iota(jnp.int32, (_QB0, K), 1)

    def bstep(kk, carry):
        curv, curi, sb = carry
        elig = (bm > curv) | ((bm == curv) & (io_bm > curi))
        bmm = jnp.where(elig, bm, float("inf"))
        m2 = jnp.min(bmm, axis=1, keepdims=True)
        b2 = jnp.min(jnp.where(elig & (bm == m2), io_bm, 2**30),
                     axis=1, keepdims=True)
        sb = jnp.where(io32 == kk, b2, sb)
        return m2, b2, sb

    _, _, sb = jax.lax.fori_loop(
        0, K, bstep,
        (jnp.full((_QB0, 1), -float("inf"), jnp.float32),
         jnp.full((_QB0, 1), -1, jnp.int32),
         jnp.zeros((_QB0, K), jnp.int32)))

    iofr = (jax.lax.broadcasted_iota(jnp.int32, (_NR, 128), 0) * 128
            + jax.lax.broadcasted_iota(jnp.int32, (_NR, 128), 1)
            ).astype(jnp.float32)
    cds = []
    cis = []
    for q in range(_QB0):
        sel = (sb[q:q + 1, :].reshape(K, 1) ==
               jax.lax.broadcasted_iota(jnp.int32, (K, _NR), 1))
        self32 = sel.astype(jnp.float32)
        cds.append(jnp.dot(self32, d2_ref[q],
                           preferred_element_type=jnp.float32,
                           precision=jax.lax.Precision.HIGHEST))
        cis.append(jnp.dot(self32, iofr,
                           preferred_element_type=jnp.float32,
                           precision=jax.lax.Precision.HIGHEST))
    cd = jnp.stack(cds)
    ci = jnp.stack(cis).astype(jnp.int32)

    def step(kk, carry):
        curv, curi, idxa, mva = carry
        cv = curv[:, :, None]
        cidx = curi[:, :, None]
        elig = (cd > cv) | ((cd == cv) & (ci > cidx))
        cdm = jnp.where(elig, cd, float("inf"))
        m = jnp.min(cdm, axis=(1, 2))[:, None]
        fl = jnp.min(jnp.where(elig & (cd == m[:, :, None]), ci, 2**30),
                     axis=(1, 2))[:, None]
        idxa = jnp.where(io32 == kk, fl, idxa)
        mva = jnp.where(io32 == kk, m, mva)
        return m, fl, idxa, mva

    _, _, idxa, mva = jax.lax.fori_loop(
        0, K, step,
        (jnp.full((_QB0, 1), -float("inf"), jnp.float32),
         jnp.full((_QB0, 1), -1, jnp.int32),
         jnp.zeros((_QB0, K), jnp.int32),
         jnp.zeros((_QB0, K), jnp.float32)))
    idx_ref[...] = idxa
    mval_ref[...] = mva


def _knn0_pallas(points, p1, r):
    xt = points.T
    idx, mval = pl.pallas_call(
        _knn0_kernel,
        grid=(M1 // _QB0,),
        in_specs=[
            pl.BlockSpec((_QB0, 3), lambda i: (i, 0)),
            pl.BlockSpec((3, N), lambda i: (0, 0)),
        ],
        out_specs=[
            pl.BlockSpec((_QB0, K), lambda i: (i, 0)),
            pl.BlockSpec((_QB0, K), lambda i: (i, 0)),
        ],
        out_shape=[
            jax.ShapeDtypeStruct((M1, K), jnp.int32),
            jax.ShapeDtypeStruct((M1, K), jnp.float32),
        ],
        scratch_shapes=[
            pltpu.VMEM((_QB0, _NR, 128), jnp.float32),
        ],
    )(p1, xt)
    valid = mval <= r * r
    return idx, valid


def _decode_kernel(feat_ref, W_ref, b_ref, out2_ref, o_ref):
    d1 = jnp.tanh(feat_ref[...] @ W_ref[...] + b_ref[...])
    o_ref[...] = jnp.tile(out2_ref[...], (1, K)) + d1 * R0


def kernel(points, batch, enc0_W, enc0_b, enc1_W, enc1_b, dec0_W, dec0_b, dec1_W, dec1_b):
    p1, p2 = _fps_pallas(points)
    ptx = points[:, 0].copy()
    pty = points[:, 1].copy()
    ptz = points[:, 2].copy()
    idx0, valid0 = _knn0_pallas(points, p1, R0)
    g0 = _sc_gather_points(ptx, pty, ptz, idx0.reshape(-1)).reshape(M1, K, 3)
    rel0 = jnp.where(valid0[..., None], (g0 - p1[:, None, :]) / R0, 0.0)
    h0 = jax.nn.relu(rel0.reshape(-1, 3) @ enc0_W + enc0_b)
    h0 = jnp.where(valid0.reshape(-1, 1), h0, 0.0)
    f1 = h0.reshape(M1, K, D0).max(axis=1)
    idx1, valid1 = _knn_radius(p1, p2, R1, K)
    rel1 = jnp.where(valid1[..., None], (p1[idx1] - p2[:, None, :]) / R1, 0.0)
    g1 = jnp.where(valid1[..., None], f1[idx1], 0.0)
    h1 = jax.nn.relu(jnp.concatenate([rel1, g1], axis=-1).reshape(-1, 3 + D0) @ enc1_W + enc1_b)
    h1 = jnp.where(valid1.reshape(-1, 1), h1, 0.0)
    f2 = h1.reshape(M2, K, D1).max(axis=1)
    cur = idx1.reshape(-1)
    input_points1 = p1[cur]
    nxt = idx0[cur].reshape(-1)
    input_points0 = _sc_gather_points(ptx, pty, ptz, nxt)
    d0 = (f2 @ dec0_W + dec0_b).reshape(M2, K, 3 + D0)
    rel_a = jnp.tanh(d0[..., :3]).reshape(M2 * K, 3)
    feat_a = jax.nn.relu(d0[..., 3:]).reshape(M2 * K, D0)
    out2 = jnp.repeat(p2, K, axis=0) + rel_a * R1
    out3 = pl.pallas_call(
        _decode_kernel,
        out_shape=jax.ShapeDtypeStruct((M2 * K, K * 3), jnp.float32),
    )(feat_a, dec1_W, dec1_b.reshape(1, K * 3), out2).reshape(M2 * K * K, 3)
    return (out3, f2, input_points0, input_points1)

# --- scband reference (transcript-rebuilt; emitter-appended) ---
"""Pipeline reference for scband-point-cloud-ae-21139829031414 (READ-ONLY COPY).

The authoritative reference and input builder live on the scoring server;
editing this copy changes nothing except your own understanding.
"""

import jax, jax.numpy as jnp
import numpy as np

N = 32768
K = 32
R0 = 0.2
R1 = 0.5
M1 = N // K
M2 = M1 // K
D0 = 64
D1 = 128


def fps(pts, m):
    pts = jax.lax.stop_gradient(pts)
    sel = jnp.zeros((m,), jnp.int32)
    mind = jnp.sum((pts - pts[0]) ** 2, axis=-1)
    def body(i, st):
        sel, mind = st
        nxt = jnp.argmax(mind).astype(jnp.int32)
        sel = sel.at[i].set(nxt)
        mind = jnp.minimum(mind, jnp.sum((pts - pts[nxt]) ** 2, axis=-1))
        return (sel, mind)
    sel, _ = jax.lax.fori_loop(1, m, body, (sel, mind))
    return sel


def knn_radius(x, y, r, k):
    d2 = jnp.sum(y * y, axis=1)[:, None] + jnp.sum(x * x, axis=1)[None, :] - 2.0 * (y @ x.T)
    neg, idx = jax.lax.top_k(-d2, k)
    valid = (-neg) <= r * r
    return idx, valid


def setup_inputs(seed: int = 0):
    key = jax.random.key(seed)
    ks = jax.random.split(key, 9)
    def w(k, shape, fan):
        return jax.random.normal(k, shape, jnp.float32) / np.sqrt(fan)
    return {
        "points": jax.random.uniform(ks[0], (N, 3), jnp.float32),
        "batch": jnp.zeros((N,), jnp.int32),
        "enc0_W": w(ks[1], (3, D0), 3),
        "enc0_b": jnp.zeros((D0,), jnp.float32),
        "enc1_W": w(ks[2], (3 + D0, D1), 3 + D0),
        "enc1_b": jnp.zeros((D1,), jnp.float32),
        "dec0_W": w(ks[3], (D1, K * (3 + D0)), D1),
        "dec0_b": jnp.zeros((K * (3 + D0),), jnp.float32),
        "dec1_W": w(ks[4], (D0, K * 3), D0),
        "dec1_b": jnp.zeros((K * 3,), jnp.float32),
    }


def reference(points, batch, enc0_W, enc0_b, enc1_W, enc1_b, dec0_W, dec0_b, dec1_W, dec1_b):
    # ----- encode: hierarchical FPS -----
    fps1 = fps(points, M1)
    p1 = points[fps1]
    fps2 = fps(p1, M2)
    p2 = p1[fps2]
    # ----- radius-kNN layer 0 -----
    idx0, valid0 = knn_radius(points, p1, R0, K)
    rel0 = jnp.where(valid0[..., None], (points[idx0] - p1[:, None, :]) / R0, 0.0)
    h0 = jax.nn.relu(rel0.reshape(-1, 3) @ enc0_W + enc0_b)
    h0 = jnp.where(valid0.reshape(-1, 1), h0, 0.0)
    f1 = h0.reshape(M1, K, D0).max(axis=1)
    # ----- radius-kNN layer 1 -----
    idx1, valid1 = knn_radius(p1, p2, R1, K)
    rel1 = jnp.where(valid1[..., None], (p1[idx1] - p2[:, None, :]) / R1, 0.0)
    g1 = jnp.where(valid1[..., None], f1[idx1], 0.0)
    h1 = jax.nn.relu(jnp.concatenate([rel1, g1], axis=-1).reshape(-1, 3 + D0) @ enc1_W + enc1_b)
    h1 = jnp.where(valid1.reshape(-1, 1), h1, 0.0)
    f2 = h1.reshape(M2, K, D1).max(axis=1)
    # ----- get_used_input_points (fixed-k clusters) -----
    cur = idx1.reshape(-1)
    input_points1 = p1[cur]
    nxt = idx0[cur].reshape(-1)
    input_points0 = points[nxt]
    # ----- decode -----
    d0 = (f2 @ dec0_W + dec0_b).reshape(M2, K, 3 + D0)
    rel_a = jnp.tanh(d0[..., :3]).reshape(M2 * K, 3)
    feat_a = jax.nn.relu(d0[..., 3:]).reshape(M2 * K, D0)
    clusters_a = jnp.repeat(jnp.arange(M2), K)
    d1 = (feat_a @ dec1_W + dec1_b).reshape(M2 * K, K, 3)
    rel_b = jnp.tanh(d1).reshape(M2 * K * K, 3)
    clusters_b = jnp.repeat(jnp.arange(M2 * K), K)
    # ----- construct_output_points (radii traversed in reverse) -----
    out1 = p2
    out2 = out1[clusters_a] + rel_a * R1
    out3 = out2[clusters_b] + rel_b * R0
    return (out3, f2, input_points0, input_points1)

if __name__ == "__main__":
    import jax
    _d = setup_inputs()
    print(jax.jit(kernel)(*tuple(_d.values())))

</pallas_src>

<mosaic_0001>
#map = affine_map<(d0, d1) -> (0)>
module attributes {stable_mosaic.version = 14 : i64} {
  func.func @k(%arg0: i32, %arg1: i32, %arg2: memref<32768xf32, #tpu.memory_space<hbm>>, %arg3: memref<32768xf32, #tpu.memory_space<hbm>>, %arg4: memref<32768xf32, #tpu.memory_space<hbm>>, %arg5: memref<32768xi32, #tpu.memory_space<hbm>>, %arg6: memref<32768xf32, #tpu.memory_space<hbm>>, %arg7: memref<32768xf32, #tpu.memory_space<hbm>>, %arg8: memref<32768xf32, #tpu.memory_space<hbm>>, %arg9: memref<1024xi32, #tpu.memory_space<vmem>>, %arg10: memref<1024xf32, #tpu.memory_space<vmem>>, %arg11: memref<1024xf32, #tpu.memory_space<vmem>>, %arg12: memref<1024xf32, #tpu.memory_space<vmem>>, %arg13: memref<!tpu.dma_semaphore, #tpu.memory_space<semaphore_mem>>) attributes {dimension_semantics = [#tpu.dimension_semantics<core_parallel>, #tpu.dimension_semantics<subcore_parallel>], iteration_bounds = array<i64: 2, 16>, scalar_prefetch = 0 : i64, scratch_operands = 5 : i64, tpu.core_type = #tpu.core_type<sc_vector_subcore>, window_params = [{transform_indices = #map}, {transform_indices = #map}, {transform_indices = #map}, {transform_indices = #map}, {transform_indices = #map}, {transform_indices = #map}, {transform_indices = #map}]} {
    %mul3A = arith.constant 2 : i32
    %mul3A_0 = arith.muli %arg1, %mul3A : i32
    %add3A = arith.addi %mul3A_0, %arg0 : i32
    %mul3A_1 = arith.constant 1024 : i32
    %mul3A_2 = arith.muli %add3A, %mul3A_1 : i32
    "tpu.region"() ({
      %run_scoped3A = tpu.sem_alloc : memref<!tpu.dma_semaphore, #tpu.memory_space<semaphore_mem>>
      %dma_start3A_13 = tpu.memref_slice %arg5[%mul3A_2] : memref<32768xi32, #tpu.memory_space<hbm>> -> memref<1024xi32, #tpu.memory_space<hbm>>
      %dma_start3A_14 = tpu.memref_slice %arg5[%mul3A_2] : memref<32768xi32, #tpu.memory_space<hbm>> -> memref<1024xi32, #tpu.memory_space<hbm>>
      tpu.enqueue_dma source(%dma_start3A_14 : memref<1024xi32, #tpu.memory_space<hbm>>) target(%arg9 : memref<1024xi32, #tpu.memory_space<vmem>>) target_semaphore(%run_scoped3A : memref<!tpu.dma_semaphore, #tpu.memory_space<semaphore_mem>>)
      %dma_wait3A_15 = tpu.memref_slice %arg5[%mul3A_2] : memref<32768xi32, #tpu.memory_space<hbm>> -> memref<1024xi32, #tpu.memory_space<hbm>>
      %dma_wait3A_16 = tpu.memref_slice %arg5[%mul3A_2] : memref<32768xi32, #tpu.memory_space<hbm>> -> memref<1024xi32, #tpu.memory_space<hbm>>
      tpu.wait_dma2 semaphore(%run_scoped3A : memref<!tpu.dma_semaphore, #tpu.memory_space<semaphore_mem>>) src(%dma_wait3A_16 : memref<1024xi32, #tpu.memory_space<hbm>>) dst(%arg9 : memref<1024xi32, #tpu.memory_space<vmem>>)
      tpu.yield
    }) : () -> ()
    %dma_start3A = arith.constant 0 : i32
    %dma_start3A_3 = tpu.memref_slice %arg2[%dma_start3A] : memref<32768xf32, #tpu.memory_space<hbm>> -> memref<32768xf32, #tpu.memory_space<hbm>>
    tpu.enqueue_indirect_dma source(%dma_start3A_3 : memref<32768xf32, #tpu.memory_space<hbm>>) target(%arg10 : memref<1024xf32, #tpu.memory_space<vmem>>) offsets(%arg9 : memref<1024xi32, #tpu.memory_space<vmem>>) semaphore(%arg13 : memref<!tpu.dma_semaphore, #tpu.memory_space<semaphore_mem>>)
    %dma_wait3A = arith.constant 0 : i32
    %dma_wait3A_4 = tpu.memref_slice %arg2[%dma_wait3A] : memref<32768xf32, #tpu.memory_space<hbm>> -> memref<32768xf32, #tpu.memory_space<hbm>>
    tpu.wait_indirect_dma semaphore(%arg13 : memref<!tpu.dma_semaphore, #tpu.memory_space<semaphore_mem>>) src(%dma_wait3A_4 : memref<32768xf32, #tpu.memory_space<hbm>>) dst(%arg10 : memref<1024xf32, #tpu.memory_space<vmem>>)
    %dma_start3A_5 = arith.constant 0 : i32
    %dma_start3A_6 = tpu.memref_slice %arg3[%dma_start3A_5] : memref<32768xf32, #tpu.memory_space<hbm>> -> memref<32768xf32, #tpu.memory_space<hbm>>
    tpu.enqueue_indirect_dma source(%dma_start3A_6 : memref<32768xf32, #tpu.memory_space<hbm>>) target(%arg11 : memref<1024xf32, #tpu.memory_space<vmem>>) offsets(%arg9 : memref<1024xi32, #tpu.memory_space<vmem>>) semaphore(%arg13 : memref<!tpu.dma_semaphore, #tpu.memory_space<semaphore_mem>>)
    %dma_wait3A_7 = arith.constant 0 : i32
    %dma_wait3A_8 = tpu.memref_slice %arg3[%dma_wait3A_7] : memref<32768xf32, #tpu.memory_space<hbm>> -> memref<32768xf32, #tpu.memory_space<hbm>>
    tpu.wait_indirect_dma semaphore(%arg13 : memref<!tpu.dma_semaphore, #tpu.memory_space<semaphore_mem>>) src(%dma_wait3A_8 : memref<32768xf32, #tpu.memory_space<hbm>>) dst(%arg11 : memref<1024xf32, #tpu.memory_space<vmem>>)
    %dma_start3A_9 = arith.constant 0 : i32
    %dma_start3A_10 = tpu.memref_slice %arg4[%dma_start3A_9] : memref<32768xf32, #tpu.memory_space<hbm>> -> memref<32768xf32, #tpu.memory_space<hbm>>
    tpu.enqueue_indirect_dma source(%dma_start3A_10 : memref<32768xf32, #tpu.memory_space<hbm>>) target(%arg12 : memref<1024xf32, #tpu.memory_space<vmem>>) offsets(%arg9 : memref<1024xi32, #tpu.memory_space<vmem>>) semaphore(%arg13 : memref<!tpu.dma_semaphore, #tpu.memory_space<semaphore_mem>>)
    %dma_wait3A_11 = arith.constant 0 : i32
    %dma_wait3A_12 = tpu.memref_slice %arg4[%dma_wait3A_11] : memref<32768xf32, #tpu.memory_space<hbm>> -> memref<32768xf32, #tpu.memory_space<hbm>>
    tpu.wait_indirect_dma semaphore(%arg13 : memref<!tpu.dma_semaphore, #tpu.memory_space<semaphore_mem>>) src(%dma_wait3A_12 : memref<32768xf32, #tpu.memory_space<hbm>>) dst(%arg12 : memref<1024xf32, #tpu.memory_space<vmem>>)
    "tpu.region"() ({
      %run_scoped3A = tpu.sem_alloc : memref<!tpu.dma_semaphore, #tpu.memory_space<semaphore_mem>>
      %dma_start3A_13 = tpu.memref_slice %arg6[%mul3A_2] : memref<32768xf32, #tpu.memory_space<hbm>> -> memref<1024xf32, #tpu.memory_space<hbm>>
      %dma_start3A_14 = tpu.memref_slice %arg6[%mul3A_2] : memref<32768xf32, #tpu.memory_space<hbm>> -> memref<1024xf32, #tpu.memory_space<hbm>>
      tpu.enqueue_dma source(%arg10 : memref<1024xf32, #tpu.memory_space<vmem>>) target(%dma_start3A_14 : memref<1024xf32, #tpu.memory_space<hbm>>) target_semaphore(%run_scoped3A : memref<!tpu.dma_semaphore, #tpu.memory_space<semaphore_mem>>)
      %dma_wait3A_15 = tpu.memref_slice %arg6[%mul3A_2] : memref<32768xf32, #tpu.memory_space<hbm>> -> memref<1024xf32, #tpu.memory_space<hbm>>
      %dma_wait3A_16 = tpu.memref_slice %arg6[%mul3A_2] : memref<32768xf32, #tpu.memory_space<hbm>> -> memref<1024xf32, #tpu.memory_space<hbm>>
      tpu.wait_dma2 semaphore(%run_scoped3A : memref<!tpu.dma_semaphore, #tpu.memory_space<semaphore_mem>>) src(%arg10 : memref<1024xf32, #tpu.memory_space<vmem>>) dst(%dma_wait3A_16 : memref<1024xf32, #tpu.memory_space<hbm>>)
      tpu.yield
    }) : () -> ()
    "tpu.region"() ({
      %run_scoped3A = tpu.sem_alloc : memref<!tpu.dma_semaphore, #tpu.memory_space<semaphore_mem>>
      %dma_start3A_13 = tpu.memref_slice %arg7[%mul3A_2] : memref<32768xf32, #tpu.memory_space<hbm>> -> memref<1024xf32, #tpu.memory_space<hbm>>
      %dma_start3A_14 = tpu.memref_slice %arg7[%mul3A_2] : memref<32768xf32, #tpu.memory_space<hbm>> -> memref<1024xf32, #tpu.memory_space<hbm>>
      tpu.enqueue_dma source(%arg11 : memref<1024xf32, #tpu.memory_space<vmem>>) target(%dma_start3A_14 : memref<1024xf32, #tpu.memory_space<hbm>>) target_semaphore(%run_scoped3A : memref<!tpu.dma_semaphore, #tpu.memory_space<semaphore_mem>>)
      %dma_wait3A_15 = tpu.memref_slice %arg7[%mul3A_2] : memref<32768xf32, #tpu.memory_space<hbm>> -> memref<1024xf32, #tpu.memory_space<hbm>>
      %dma_wait3A_16 = tpu.memref_slice %arg7[%mul3A_2] : memref<32768xf32, #tpu.memory_space<hbm>> -> memref<1024xf32, #tpu.memory_space<hbm>>
      tpu.wait_dma2 semaphore(%run_scoped3A : memref<!tpu.dma_semaphore, #tpu.memory_space<semaphore_mem>>) src(%arg11 : memref<1024xf32, #tpu.memory_space<vmem>>) dst(%dma_wait3A_16 : memref<1024xf32, #tpu.memory_space<hbm>>)
      tpu.yield
    }) : () -> ()
    "tpu.region"() ({
      %run_scoped3A = tpu.sem_alloc : memref<!tpu.dma_semaphore, #tpu.memory_space<semaphore_mem>>
      %dma_start3A_13 = tpu.memref_slice %arg8[%mul3A_2] : memref<32768xf32, #tpu.memory_space<hbm>> -> memref<1024xf32, #tpu.memory_space<hbm>>
      %dma_start3A_14 = tpu.memref_slice %arg8[%mul3A_2] : memref<32768xf32, #tpu.memory_space<hbm>> -> memref<1024xf32, #tpu.memory_space<hbm>>
      tpu.enqueue_dma source(%arg12 : memref<1024xf32, #tpu.memory_space<vmem>>) target(%dma_start3A_14 : memref<1024xf32, #tpu.memory_space<hbm>>) target_semaphore(%run_scoped3A : memref<!tpu.dma_semaphore, #tpu.memory_space<semaphore_mem>>)
      %dma_wait3A_15 = tpu.memref_slice %arg8[%mul3A_2] : memref<32768xf32, #tpu.memory_space<hbm>> -> memref<1024xf32, #tpu.memory_space<hbm>>
      %dma_wait3A_16 = tpu.memref_slice %arg8[%mul3A_2] : memref<32768xf32, #tpu.memory_space<hbm>> -> memref<1024xf32, #tpu.memory_space<hbm>>
      tpu.wait_dma2 semaphore(%run_scoped3A : memref<!tpu.dma_semaphore, #tpu.memory_space<semaphore_mem>>) src(%arg12 : memref<1024xf32, #tpu.memory_space<vmem>>) dst(%dma_wait3A_16 : memref<1024xf32, #tpu.memory_space<hbm>>)
      tpu.yield
    }) : () -> ()
    return
  }
}

#map = affine_map<(d0, d1) -> (0)>
module attributes {stable_mosaic.version = 14 : i64} {
  func.func @k(%arg0: i32, %arg1: i32, %arg2: memref<32768xf32, #tpu.memory_space<hbm>>, %arg3: memref<32768xf32, #tpu.memory_space<hbm>>, %arg4: memref<32768xf32, #tpu.memory_space<hbm>>, %arg5: memref<32768xi32, #tpu.memory_space<hbm>>, %arg6: memref<32768xf32, #tpu.memory_space<hbm>>, %arg7: memref<32768xf32, #tpu.memory_space<hbm>>, %arg8: memref<32768xf32, #tpu.memory_space<hbm>>, %arg9: memref<1024xi32, #tpu.memory_space<vmem>>, %arg10: memref<1024xf32, #tpu.memory_space<vmem>>, %arg11: memref<1024xf32, #tpu.memory_space<vmem>>, %arg12: memref<1024xf32, #tpu.memory_space<vmem>>, %arg13: memref<!tpu.dma_semaphore, #tpu.memory_space<semaphore_mem>>) attributes {dimension_semantics = [#tpu.dimension_semantics<core_parallel>, #tpu.dimension_semantics<subcore_parallel>], iteration_bounds = array<i64: 2, 16>, scalar_prefetch = 0 : i64, scratch_operands = 5 : i64, tpu.core_type = #tpu.core_type<sc_vector_subcore>, window_params = [{transform_indices = #map}, {transform_indices = #map}, {transform_indices = #map}, {transform_indices = #map}, {transform_indices = #map}, {transform_indices = #map}, {transform_indices = #map}]} {
    %mul3A = arith.constant 2 : i32
    %mul3A_0 = arith.muli %arg1, %mul3A : i32
    %add3A = arith.addi %mul3A_0, %arg0 : i32
    %mul3A_1 = arith.constant 1024 : i32
    %mul3A_2 = arith.muli %add3A, %mul3A_1 : i32
    "tpu.region"() ({
      %run_scoped3A = tpu.sem_alloc : memref<!tpu.dma_semaphore, #tpu.memory_space<semaphore_mem>>
      %dma_start3A_13 = tpu.memref_slice %arg5[%mul3A_2] : memref<32768xi32, #tpu.memory_space<hbm>> -> memref<1024xi32, #tpu.memory_space<hbm>>
      %dma_start3A_14 = tpu.memref_slice %arg5[%mul3A_2] : memref<32768xi32, #tpu.memory_space<hbm>> -> memref<1024xi32, #tpu.memory_space<hbm>>
      tpu.enqueue_dma source(%dma_start3A_14 : memref<1024xi32, #tpu.memory_space<hbm>>) target(%arg9 : memref<1024xi32, #tpu.memory_space<vmem>>) target_semaphore(%run_scoped3A : memref<!tpu.dma_semaphore, #tpu.memory_space<semaphore_mem>>)
      %dma_wait3A_15 = tpu.memref_slice %arg5[%mul3A_2] : memref<32768xi32, #tpu.memory_space<hbm>> -> memref<1024xi32, #tpu.memory_space<hbm>>
      %dma_wait3A_16 = tpu.memref_slice %arg5[%mul3A_2] : memref<32768xi32, #tpu.memory_space<hbm>> -> memref<1024xi32, #tpu.memory_space<hbm>>
      tpu.wait_dma2 semaphore(%run_scoped3A : memref<!tpu.dma_semaphore, #tpu.memory_space<semaphore_mem>>) src(%dma_wait3A_16 : memref<1024xi32, #tpu.memory_space<hbm>>) dst(%arg9 : memref<1024xi32, #tpu.memory_space<vmem>>)
      tpu.yield
    }) : () -> ()
    %dma_start3A = arith.constant 0 : i32
    %dma_start3A_3 = tpu.memref_slice %arg2[%dma_start3A] : memref<32768xf32, #tpu.memory_space<hbm>> -> memref<32768xf32, #tpu.memory_space<hbm>>
    tpu.enqueue_indirect_dma source(%dma_start3A_3 : memref<32768xf32, #tpu.memory_space<hbm>>) target(%arg10 : memref<1024xf32, #tpu.memory_space<vmem>>) offsets(%arg9 : memref<1024xi32, #tpu.memory_space<vmem>>) semaphore(%arg13 : memref<!tpu.dma_semaphore, #tpu.memory_space<semaphore_mem>>)
    %dma_wait3A = arith.constant 0 : i32
    %dma_wait3A_4 = tpu.memref_slice %arg2[%dma_wait3A] : memref<32768xf32, #tpu.memory_space<hbm>> -> memref<32768xf32, #tpu.memory_space<hbm>>
    tpu.wait_indirect_dma semaphore(%arg13 : memref<!tpu.dma_semaphore, #tpu.memory_space<semaphore_mem>>) src(%dma_wait3A_4 : memref<32768xf32, #tpu.memory_space<hbm>>) dst(%arg10 : memref<1024xf32, #tpu.memory_space<vmem>>)
    %dma_start3A_5 = arith.constant 0 : i32
    %dma_start3A_6 = tpu.memref_slice %arg3[%dma_start3A_5] : memref<32768xf32, #tpu.memory_space<hbm>> -> memref<32768xf32, #tpu.memory_space<hbm>>
    tpu.enqueue_indirect_dma source(%dma_start3A_6 : memref<32768xf32, #tpu.memory_space<hbm>>) target(%arg11 : memref<1024xf32, #tpu.memory_space<vmem>>) offsets(%arg9 : memref<1024xi32, #tpu.memory_space<vmem>>) semaphore(%arg13 : memref<!tpu.dma_semaphore, #tpu.memory_space<semaphore_mem>>)
    %dma_wait3A_7 = arith.constant 0 : i32
    %dma_wait3A_8 = tpu.memref_slice %arg3[%dma_wait3A_7] : memref<32768xf32, #tpu.memory_space<hbm>> -> memref<32768xf32, #tpu.memory_space<hbm>>
    tpu.wait_indirect_dma semaphore(%arg13 : memref<!tpu.dma_semaphore, #tpu.memory_space<semaphore_mem>>) src(%dma_wait3A_8 : memref<32768xf32, #tpu.memory_space<hbm>>) dst(%arg11 : memref<1024xf32, #tpu.memory_space<vmem>>)
    %dma_start3A_9 = arith.constant 0 : i32
    %dma_start3A_10 = tpu.memref_slice %arg4[%dma_start3A_9] : memref<32768xf32, #tpu.memory_space<hbm>> -> memref<32768xf32, #tpu.memory_space<hbm>>
    tpu.enqueue_indirect_dma source(%dma_start3A_10 : memref<32768xf32, #tpu.memory_space<hbm>>) target(%arg12 : memref<1024xf32, #tpu.memory_space<vmem>>) offsets(%arg9 : memref<1024xi32, #tpu.memory_space<vmem>>) semaphore(%arg13 : memref<!tpu.dma_semaphore, #tpu.memory_space<semaphore_mem>>)
    %dma_wait3A_11 = arith.constant 0 : i32
    %dma_wait3A_12 = tpu.memref_slice %arg4[%dma_wait3A_11] : memref<32768xf32, #tpu.memory_space<hbm>> -> memref<32768xf32, #tpu.memory_space<hbm>>
    tpu.wait_indirect_dma semaphore(%arg13 : memref<!tpu.dma_semaphore, #tpu.memory_space<semaphore_mem>>) src(%dma_wait3A_12 : memref<32768xf32, #tpu.memory_space<hbm>>) dst(%arg12 : memref<1024xf32, #tpu.memory_space<vmem>>)
    "tpu.region"() ({
      %run_scoped3A = tpu.sem_alloc : memref<!tpu.dma_semaphore, #tpu.memory_space<semaphore_mem>>
      %dma_start3A_13 = tpu.memref_slice %arg6[%mul3A_2] : memref<32768xf32, #tpu.memory_space<hbm>> -> memref<1024xf32, #tpu.memory_space<hbm>>
      %dma_start3A_14 = tpu.memref_slice %arg6[%mul3A_2] : memref<32768xf32, #tpu.memory_space<hbm>> -> memref<1024xf32, #tpu.memory_space<hbm>>
      tpu.enqueue_dma source(%arg10 : memref<1024xf32, #tpu.memory_space<vmem>>) target(%dma_start3A_14 : memref<1024xf32, #tpu.memory_space<hbm>>) target_semaphore(%run_scoped3A : memref<!tpu.dma_semaphore, #tpu.memory_space<semaphore_mem>>)
      %dma_wait3A_15 = tpu.memref_slice %arg6[%mul3A_2] : memref<32768xf32, #tpu.memory_space<hbm>> -> memref<1024xf32, #tpu.memory_space<hbm>>
      %dma_wait3A_16 = tpu.memref_slice %arg6[%mul3A_2] : memref<32768xf32, #tpu.memory_space<hbm>> -> memref<1024xf32, #tpu.memory_space<hbm>>
      tpu.wait_dma2 semaphore(%run_scoped3A : memref<!tpu.dma_semaphore, #tpu.memory_space<semaphore_mem>>) src(%arg10 : memref<1024xf32, #tpu.memory_space<vmem>>) dst(%dma_wait3A_16 : memref<1024xf32, #tpu.memory_space<hbm>>)
      tpu.yield
    }) : () -> ()
    "tpu.region"() ({
      %run_scoped3A = tpu.sem_alloc : memref<!tpu.dma_semaphore, #tpu.memory_space<semaphore_mem>>
      %dma_start3A_13 = tpu.memref_slice %arg7[%mul3A_2] : memref<32768xf32, #tpu.memory_space<hbm>> -> memref<1024xf32, #tpu.memory_space<hbm>>
      %dma_start3A_14 = tpu.memref_slice %arg7[%mul3A_2] : memref<32768xf32, #tpu.memory_space<hbm>> -> memref<1024xf32, #tpu.memory_space<hbm>>
      tpu.enqueue_dma source(%arg11 : memref<1024xf32, #tpu.memory_space<vmem>>) target(%dma_start3A_14 : memref<1024xf32, #tpu.memory_space<hbm>>) target_semaphore(%run_scoped3A : memref<!tpu.dma_semaphore, #tpu.memory_space<semaphore_mem>>)
      %dma_wait3A_15 = tpu.memref_slice %arg7[%mul3A_2] : memref<32768xf32, #tpu.memory_space<hbm>> -> memref<1024xf32, #tpu.memory_space<hbm>>
      %dma_wait3A_16 = tpu.memref_slice %arg7[%mul3A_2] : memref<32768xf32, #tpu.memory_space<hbm>> -> memref<1024xf32, #tpu.memory_space<hbm>>
      tpu.wait_dma2 semaphore(%run_scoped3A : memref<!tpu.dma_semaphore, #tpu.memory_space<semaphore_mem>>) src(%arg11 : memref<1024xf32, #tpu.memory_space<vmem>>) dst(%dma_wait3A_16 : memref<1024xf32, #tpu.memory_space<hbm>>)
      tpu.yield
    }) : () -> ()
    "tpu.region"() ({
      %run_scoped3A = tpu.sem_alloc : memref<!tpu.dma_semaphore, #tpu.memory_space<semaphore_mem>>
      %dma_start3A_13 = tpu.memref_slice %arg8[%mul3A_2] : memref<32768xf32, #tpu.memory_space<hbm>> -> memref<1024xf32, #tpu.memory_space<hbm>>
      %dma_start3A_14 = tpu.memref_slice %arg8[%mul3A_2] : memref<32768xf32, #tpu.memory_space<hbm>> -> memref<1024xf32, #tpu.memory_space<hbm>>
      tpu.enqueue_dma source(%arg12 : memref<1024xf32, #tpu.memory_space<vmem>>) target(%dma_start3A_14 : memref<1024xf32, #tpu.memory_space<hbm>>) target_semaphore(%run_scoped3A : memref<!tpu.dma_semaphore, #tpu.memory_space<semaphore_mem>>)
      %dma_wait3A_15 = tpu.memref_slice %arg8[%mul3A_2] : memref<32768xf32, #tpu.memory_space<hbm>> -> memref<1024xf32, #tpu.memory_space<hbm>>
      %dma_wait3A_16 = tpu.memref_slice %arg8[%mul3A_2] : memref<32768xf32, #tpu.memory_space<hbm>> -> memref<1024xf32, #tpu.memory_space<hbm>>
      tpu.wait_dma2 semaphore(%run_scoped3A : memref<!tpu.dma_semaphore, #tpu.memory_space<semaphore_mem>>) src(%arg12 : memref<1024xf32, #tpu.memory_space<vmem>>) dst(%dma_wait3A_16 : memref<1024xf32, #tpu.memory_space<hbm>>)
      tpu.yield
    }) : () -> ()
    return
  }
}

module attributes {stable_mosaic.version = 14 : i64} {
  func.func @_fps_kernel(%arg0: memref<256x128xf32, #tpu.memory_space<vmem>>, %arg1: memref<256x128xf32, #tpu.memory_space<vmem>>, %arg2: memref<256x128xf32, #tpu.memory_space<vmem>>, %arg3: memref<8x128xf32, #tpu.memory_space<vmem>>, %arg4: memref<8x128xf32, #tpu.memory_space<vmem>>, %arg5: memref<8x128xf32, #tpu.memory_space<vmem>>, %arg6: memref<8x128xf32, #tpu.memory_space<vmem>>, %arg7: memref<8x128xf32, #tpu.memory_space<vmem>>, %arg8: memref<8x128xf32, #tpu.memory_space<vmem>>, %arg9: memref<256x128xf32, #tpu.memory_space<vmem>>) attributes {dimension_semantics = [], scalar_prefetch = 0 : i64, scratch_operands = 1 : i64, tpu.core_type = #tpu.core_type<tc>} {
    %iota3A = tpu.iota {dimensions = array<i32: 0>} : vector<256x128xi32>
    %iota3A_0 = tpu.iota {dimensions = array<i32: 1>} : vector<256x128xi32>
    %mul3A = arith.constant 128 : i32
    %mul3A_1 = vector.broadcast %mul3A : i32 to vector<256x128xi32>
    %mul3A_2 = arith.muli %iota3A, %mul3A_1 : vector<256x128xi32>
    %add3A = arith.addi %mul3A_2, %iota3A_0 : vector<256x128xi32>
    %iota3A_3 = tpu.iota {dimensions = array<i32: 0>} : vector<8x128xi32>
    %iota3A_4 = tpu.iota {dimensions = array<i32: 1>} : vector<8x128xi32>
    %mul3A_5 = arith.constant 128 : i32
    %mul3A_6 = vector.broadcast %mul3A_5 : i32 to vector<8x128xi32>
    %mul3A_7 = arith.muli %iota3A_3, %mul3A_6 : vector<8x128xi32>
    %add3A_8 = arith.addi %mul3A_7, %iota3A_4 : vector<8x128xi32>
    %get3A = arith.constant 0 : index
    %get3A_9 = arith.constant 0 : index
    %get3A_10 = vector.load %arg0[%get3A, %get3A_9] : memref<256x128xf32, #tpu.memory_space<vmem>>, vector<256x128xf32>
    %get3A_11 = arith.constant 0 : index
    %get3A_12 = arith.constant 0 : index
    %get3A_13 = vector.load %arg1[%get3A_11, %get3A_12] : memref<256x128xf32, #tpu.memory_space<vmem>>, vector<256x128xf32>
    %get3A_14 = arith.constant 0 : index
    %get3A_15 = arith.constant 0 : index
    %get3A_16 = vector.load %arg2[%get3A_14, %get3A_15] : memref<256x128xf32, #tpu.memory_space<vmem>>, vector<256x128xf32>
    %eq3A = arith.constant 0 : i32
    %eq3A_17 = vector.broadcast %eq3A : i32 to vector<256x128xi32>
    %eq3A_18 = arith.cmpi eq, %add3A, %eq3A_17 : vector<256x128xi32>
    %jit3A = arith.constant 0.000000e+00 : f32
    %broadcast_in_dim3A = vector.broadcast %jit3A : f32 to vector<256x128xf32>
    %select_n3A = arith.select %eq3A_18, %get3A_10, %broadcast_in_dim3A : vector<256x128xi1>, vector<256x128xf32>
    %reduce_sum3A = vector.shape_cast %select_n3A : vector<256x128xf32> to vector<1x256x128xf32>
    %reduce_sum3A_19 = arith.constant dense<0.000000e+00> : vector<1xf32>
    %reduce_sum3A_20 = vector.multi_reduction <add>, %reduce_sum3A, %reduce_sum3A_19 [1, 2] : vector<1x256x128xf32> to vector<1xf32>
    %reduce_sum3A_21 = vector.shape_cast %reduce_sum3A_20 : vector<1xf32> to vector<1x1x1xf32>
    %reduce_sum3A_22 = vector.extract %reduce_sum3A_21[0, 0, 0] : f32 from vector<1x1x1xf32>
    %jit3A_23 = arith.constant 0.000000e+00 : f32
    %broadcast_in_dim3A_24 = vector.broadcast %jit3A_23 : f32 to vector<256x128xf32>
    %select_n3A_25 = arith.select %eq3A_18, %get3A_13, %broadcast_in_dim3A_24 : vector<256x128xi1>, vector<256x128xf32>
    %reduce_sum3A_26 = vector.shape_cast %select_n3A_25 : vector<256x128xf32> to vector<1x256x128xf32>
    %reduce_sum3A_27 = arith.constant dense<0.000000e+00> : vector<1xf32>
    %reduce_sum3A_28 = vector.multi_reduction <add>, %reduce_sum3A_26, %reduce_sum3A_27 [1, 2] : vector<1x256x128xf32> to vector<1xf32>
    %reduce_sum3A_29 = vector.shape_cast %reduce_sum3A_28 : vector<1xf32> to vector<1x1x1xf32>
    %reduce_sum3A_30 = vector.extract %reduce_sum3A_29[0, 0, 0] : f32 from vector<1x1x1xf32>
    %jit3A_31 = arith.constant 0.000000e+00 : f32
    %broadcast_in_dim3A_32 = vector.broadcast %jit3A_31 : f32 to vector<256x128xf32>
    %select_n3A_33 = arith.select %eq3A_18, %get3A_16, %broadcast_in_dim3A_32 : vector<256x128xi1>, vector<256x128xf32>
    %reduce_sum3A_34 = vector.shape_cast %select_n3A_33 : vector<256x128xf32> to vector<1x256x128xf32>
    %reduce_sum3A_35 = arith.constant dense<0.000000e+00> : vector<1xf32>
    %reduce_sum3A_36 = vector.multi_reduction <add>, %reduce_sum3A_34, %reduce_sum3A_35 [1, 2] : vector<1x256x128xf32> to vector<1xf32>
    %reduce_sum3A_37 = vector.shape_cast %reduce_sum3A_36 : vector<1xf32> to vector<1x1x1xf32>
    %reduce_sum3A_38 = vector.extract %reduce_sum3A_37[0, 0, 0] : f32 from vector<1x1x1xf32>
    %sub3A = vector.broadcast %reduce_sum3A_22 : f32 to vector<256x128xf32>
    %sub3A_39 = arith.subf %get3A_10, %sub3A : vector<256x128xf32>
    %sub3A_40 = vector.broadcast %reduce_sum3A_30 : f32 to vector<256x128xf32>
    %sub3A_41 = arith.subf %get3A_13, %sub3A_40 : vector<256x128xf32>
    %sub3A_42 = vector.broadcast %reduce_sum3A_38 : f32 to vector<256x128xf32>
    %sub3A_43 = arith.subf %get3A_16, %sub3A_42 : vector<256x128xf32>
    %mul3A_44 = arith.mulf %sub3A_39, %sub3A_39 : vector<256x128xf32>
    %mul3A_45 = arith.mulf %sub3A_41, %sub3A_41 : vector<256x128xf32>
    %add3A_46 = arith.addf %mul3A_44, %mul3A_45 : vector<256x128xf32>
    %mul3A_47 = arith.mulf %sub3A_43, %sub3A_43 : vector<256x128xf32>
    %add3A_48 = arith.addf %add3A_46, %mul3A_47 : vector<256x128xf32>
    %swap3A = arith.constant 0 : index
    %swap3A_49 = arith.constant 0 : index
    %swap3A_50 = vector.load %arg9[%swap3A, %swap3A_49] : memref<256x128xf32, #tpu.memory_space<vmem>>, vector<256x128xf32>
    tpu.vector_store %arg9[%swap3A, %swap3A_49], %add3A_48 {strides = array<i32>} : memref<256x128xf32, #tpu.memory_space<vmem>>, vector<256x128xf32>,
    %eq3A_51 = arith.constant 0 : i32
    %eq3A_52 = vector.broadcast %eq3A_51 : i32 to vector<8x128xi32>
    %eq3A_53 = arith.cmpi eq, %add3A_8, %eq3A_52 : vector<8x128xi32>
    %jit3A_54 = arith.constant 0.000000e+00 : f32
    %broadcast_in_dim3A_55 = vector.broadcast %reduce_sum3A_22 : f32 to vector<8x128xf32>
    %broadcast_in_dim3A_56 = vector.broadcast %jit3A_54 : f32 to vector<8x128xf32>
    %select_n3A_57 = arith.select %eq3A_53, %broadcast_in_dim3A_55, %broadcast_in_dim3A_56 : vector<8x128xi1>, vector<8x128xf32>
    %swap3A_58 = arith.constant 0 : index
    %swap3A_59 = arith.constant 0 : index
    %swap3A_60 = vector.load %arg3[%swap3A_58, %swap3A_59] : memref<8x128xf32, #tpu.memory_space<vmem>>, vector<8x128xf32>
    tpu.vector_store %arg3[%swap3A_58, %swap3A_59], %select_n3A_57 {strides = array<i32>} : memref<8x128xf32, #tpu.memory_space<vmem>>, vector<8x128xf32>,
    %jit3A_61 = arith.constant 0.000000e+00 : f32
    %broadcast_in_dim3A_62 = vector.broadcast %reduce_sum3A_30 : f32 to vector<8x128xf32>
    %broadcast_in_dim3A_63 = vector.broadcast %jit3A_61 : f32 to vector<8x128xf32>
    %select_n3A_64 = arith.select %eq3A_53, %broadcast_in_dim3A_62, %broadcast_in_dim3A_63 : vector<8x128xi1>, vector<8x128xf32>
    %swap3A_65 = arith.constant 0 : index
    %swap3A_66 = arith.constant 0 : index
    %swap3A_67 = vector.load %arg4[%swap3A_65, %swap3A_66] : memref<8x128xf32, #tpu.memory_space<vmem>>, vector<8x128xf32>
    tpu.vector_store %arg4[%swap3A_65, %swap3A_66], %select_n3A_64 {strides = array<i32>} : memref<8x128xf32, #tpu.memory_space<vmem>>, vector<8x128xf32>,
    %jit3A_68 = arith.constant 0.000000e+00 : f32
    %broadcast_in_dim3A_69 = vector.broadcast %reduce_sum3A_38 : f32 to vector<8x128xf32>
    %broadcast_in_dim3A_70 = vector.broadcast %jit3A_68 : f32 to vector<8x128xf32>
    %select_n3A_71 = arith.select %eq3A_53, %broadcast_in_dim3A_69, %broadcast_in_dim3A_70 : vector<8x128xi1>, vector<8x128xf32>
    %swap3A_72 = arith.constant 0 : index
    %swap3A_73 = arith.constant 0 : index
    %swap3A_74 = vector.load %arg5[%swap3A_72, %swap3A_73] : memref<8x128xf32, #tpu.memory_space<vmem>>, vector<8x128xf32>
    tpu.vector_store %arg5[%swap3A_72, %swap3A_73], %select_n3A_71 {strides = array<i32>} : memref<8x128xf32, #tpu.memory_space<vmem>>, vector<8x128xf32>,
    %scan3A = arith.constant 1 : i32
    %scan3A_75 = arith.constant 1023 : i32
    %scan3A_76 = arith.addi %scan3A, %scan3A_75 : i32
    %scan3A_77 = arith.constant 1 : i32
    scf.for %scan3A_153 = %scan3A to %scan3A_76 step %scan3A_77  : i32 {
      %get3A_154 = arith.constant 0 : index
      %get3A_155 = arith.constant 0 : index
      %get3A_156 = vector.load %arg9[%get3A_154, %get3A_155] : memref<256x128xf32, #tpu.memory_space<vmem>>, vector<256x128xf32>
      %reduce_max3A = vector.shape_cast %get3A_156 : vector<256x128xf32> to vector<1x256x128xf32>
      %reduce_max3A_157 = arith.constant dense<0xFF800000> : vector<1xf32>
      %reduce_max3A_158 = vector.multi_reduction <maximumf>, %reduce_max3A, %reduce_max3A_157 [1, 2] : vector<1x256x128xf32> to vector<1xf32>
      %reduce_max3A_159 = vector.shape_cast %reduce_max3A_158 : vector<1xf32> to vector<1x1x1xf32>
      %reduce_max3A_160 = vector.extract %reduce_max3A_159[0, 0, 0] : f32 from vector<1x1x1xf32>
      %eq3A_161 = vector.broadcast %reduce_max3A_160 : f32 to vector<256x128xf32>
      %eq3A_162 = arith.cmpf oeq, %get3A_156, %eq3A_161 : vector<256x128xf32>
      %jit3A_163 = arith.constant 1073741824 : i32
      %broadcast_in_dim3A_164 = vector.broadcast %jit3A_163 : i32 to vector<256x128xi32>
      %select_n3A_165 = arith.select %eq3A_162, %add3A, %broadcast_in_dim3A_164 : vector<256x128xi1>, vector<256x128xi32>
      %reduce_min3A = vector.shape_cast %select_n3A_165 : vector<256x128xi32> to vector<1x256x128xi32>
      %reduce_min3A_166 = arith.constant dense<2147483647> : vector<1xi32>
      %reduce_min3A_167 = vector.multi_reduction <minsi>, %reduce_min3A, %reduce_min3A_166 [1, 2] : vector<1x256x128xi32> to vector<1xi32>
      %reduce_min3A_168 = vector.shape_cast %reduce_min3A_167 : vector<1xi32> to vector<1x1x1xi32>
      %reduce_min3A_169 = vector.extract %reduce_min3A_168[0, 0, 0] : i32 from vector<1x1x1xi32>
      %eq3A_170 = vector.broadcast %reduce_min3A_169 : i32 to vector<256x128xi32>
      %eq3A_171 = arith.cmpi eq, %add3A, %eq3A_170 : vector<256x128xi32>
      %jit3A_172 = arith.constant 0.000000e+00 : f32
      %broadcast_in_dim3A_173 = vector.broadcast %jit3A_172 : f32 to vector<256x128xf32>
      %select_n3A_174 = arith.select %eq3A_171, %get3A_10, %broadcast_in_dim3A_173 : vector<256x128xi1>, vector<256x128xf32>
      %reduce_sum3A_175 = vector.shape_cast %select_n3A_174 : vector<256x128xf32> to vector<1x256x128xf32>
      %reduce_sum3A_176 = arith.constant dense<0.000000e+00> : vector<1xf32>
      %reduce_sum3A_177 = vector.multi_reduction <add>, %reduce_sum3A_175, %reduce_sum3A_176 [1, 2] : vector<1x256x128xf32> to vector<1xf32>
      %reduce_sum3A_178 = vector.shape_cast %reduce_sum3A_177 : vector<1xf32> to vector<1x1x1xf32>
      %reduce_sum3A_179 = vector.extract %reduce_sum3A_178[0, 0, 0] : f32 from vector<1x1x1xf32>
      %jit3A_180 = arith.constant 0.000000e+00 : f32
      %broadcast_in_dim3A_181 = vector.broadcast %jit3A_180 : f32 to vector<256x128xf32>
      %select_n3A_182 = arith.select %eq3A_171, %get3A_13, %broadcast_in_dim3A_181 : vector<256x128xi1>, vector<256x128xf32>
      %reduce_sum3A_183 = vector.shape_cast %select_n3A_182 : vector<256x128xf32> to vector<1x256x128xf32>
      %reduce_sum3A_184 = arith.constant dense<0.000000e+00> : vector<1xf32>
      %reduce_sum3A_185 = vector.multi_reduction <add>, %reduce_sum3A_183, %reduce_sum3A_184 [1, 2] : vector<1x256x128xf32> to vector<1xf32>
      %reduce_sum3A_186 = vector.shape_cast %reduce_sum3A_185 : vector<1xf32> to vector<1x1x1xf32>
      %reduce_sum3A_187 = vector.extract %reduce_sum3A_186[0, 0, 0] : f32 from vector<1x1x1xf32>
      %jit3A_188 = arith.constant 0.000000e+00 : f32
      %broadcast_in_dim3A_189 = vector.broadcast %jit3A_188 : f32 to vector<256x128xf32>
      %select_n3A_190 = arith.select %eq3A_171, %get3A_16, %broadcast_in_dim3A_189 : vector<256x128xi1>, vector<256x128xf32>
      %reduce_sum3A_191 = vector.shape_cast %select_n3A_190 : vector<256x128xf32> to vector<1x256x128xf32>
      %reduce_sum3A_192 = arith.constant dense<0.000000e+00> : vector<1xf32>
      %reduce_sum3A_193 = vector.multi_reduction <add>, %reduce_sum3A_191, %reduce_sum3A_192 [1, 2] : vector<1x256x128xf32> to vector<1xf32>
      %reduce_sum3A_194 = vector.shape_cast %reduce_sum3A_193 : vector<1xf32> to vector<1x1x1xf32>
      %reduce_sum3A_195 = vector.extract %reduce_sum3A_194[0, 0, 0] : f32 from vector<1x1x1xf32>
      %sub3A_196 = vector.broadcast %reduce_sum3A_179 : f32 to vector<256x128xf32>
      %sub3A_197 = arith.subf %get3A_10, %sub3A_196 : vector<256x128xf32>
      %sub3A_198 = vector.broadcast %reduce_sum3A_187 : f32 to vector<256x128xf32>
      %sub3A_199 = arith.subf %get3A_13, %sub3A_198 : vector<256x128xf32>
      %sub3A_200 = vector.broadcast %reduce_sum3A_195 : f32 to vector<256x128xf32>
      %sub3A_201 = arith.subf %get3A_16, %sub3A_200 : vector<256x128xf32>
      %mul3A_202 = arith.mulf %sub3A_197, %sub3A_197 : vector<256x128xf32>
      %mul3A_203 = arith.mulf %sub3A_199, %sub3A_199 : vector<256x128xf32>
      %add3A_204 = arith.addf %mul3A_202, %mul3A_203 : vector<256x128xf32>
      %mul3A_205 = arith.mulf %sub3A_201, %sub3A_201 : vector<256x128xf32>
      %add3A_206 = arith.addf %add3A_204, %mul3A_205 : vector<256x128xf32>
      %min3A = arith.minimumf %get3A_156, %add3A_206 : vector<256x128xf32>
      %swap3A_207 = arith.constant 0 : index
      %swap3A_208 = arith.constant 0 : index
      %swap3A_209 = vector.load %arg9[%swap3A_207, %swap3A_208] : memref<256x128xf32, #tpu.memory_space<vmem>>, vector<256x128xf32>
      tpu.vector_store %arg9[%swap3A_207, %swap3A_208], %min3A {strides = array<i32>} : memref<256x128xf32, #tpu.memory_space<vmem>>, vector<256x128xf32>,
      %eq3A_210 = vector.broadcast %scan3A_153 : i32 to vector<8x128xi32>
      %eq3A_211 = arith.cmpi eq, %add3A_8, %eq3A_210 : vector<8x128xi32>
      %get3A_212 = arith.constant 0 : index
      %get3A_213 = arith.constant 0 : index
      %get3A_214 = vector.load %arg3[%get3A_212, %get3A_213] : memref<8x128xf32, #tpu.memory_space<vmem>>, vector<8x128xf32>
      %broadcast_in_dim3A_215 = vector.broadcast %reduce_sum3A_179 : f32 to vector<8x128xf32>
      %select_n3A_216 = arith.select %eq3A_211, %broadcast_in_dim3A_215, %get3A_214 : vector<8x128xi1>, vector<8x128xf32>
      %swap3A_217 = arith.constant 0 : index
      %swap3A_218 = arith.constant 0 : index
      %swap3A_219 = vector.load %arg3[%swap3A_217, %swap3A_218] : memref<8x128xf32, #tpu.memory_space<vmem>>, vector<8x128xf32>
      tpu.vector_store %arg3[%swap3A_217, %swap3A_218], %select_n3A_216 {strides = array<i32>} : memref<8x128xf32, #tpu.memory_space<vmem>>, vector<8x128xf32>,
      %get3A_220 = arith.constant 0 : index
      %get3A_221 = arith.constant 0 : index
      %get3A_222 = vector.load %arg4[%get3A_220, %get3A_221] : memref<8x128xf32, #tpu.memory_space<vmem>>, vector<8x128xf32>
      %broadcast_in_dim3A_223 = vector.broadcast %reduce_sum3A_187 : f32 to vector<8x128xf32>
      %select_n3A_224 = arith.select %eq3A_211, %broadcast_in_dim3A_223, %get3A_222 : vector<8x128xi1>, vector<8x128xf32>
      %swap3A_225 = arith.constant 0 : index
      %swap3A_226 = arith.constant 0 : index
      %swap3A_227 = vector.load %arg4[%swap3A_225, %swap3A_226] : memref<8x128xf32, #tpu.memory_space<vmem>>, vector<8x128xf32>
      tpu.vector_store %arg4[%swap3A_225, %swap3A_226], %select_n3A_224 {strides = array<i32>} : memref<8x128xf32, #tpu.memory_space<vmem>>, vector<8x128xf32>,
      %get3A_228 = arith.constant 0 : index
      %get3A_229 = arith.constant 0 : index
      %get3A_230 = vector.load %arg5[%get3A_228, %get3A_229] : memref<8x128xf32, #tpu.memory_space<vmem>>, vector<8x128xf32>
      %broadcast_in_dim3A_231 = vector.broadcast %reduce_sum3A_195 : f32 to vector<8x128xf32>
      %select_n3A_232 = arith.select %eq3A_211, %broadcast_in_dim3A_231, %get3A_230 : vector<8x128xi1>, vector<8x128xf32>
      %swap3A_233 = arith.constant 0 : index
      %swap3A_234 = arith.constant 0 : index
      %swap3A_235 = vector.load %arg5[%swap3A_233, %swap3A_234] : memref<8x128xf32, #tpu.memory_space<vmem>>, vector<8x128xf32>
      tpu.vector_store %arg5[%swap3A_233, %swap3A_234], %select_n3A_232 {strides = array<i32>} : memref<8x128xf32, #tpu.memory_space<vmem>>, vector<8x128xf32>,
    }
    %scan3A_78 = arith.constant 1023 : i32
    %get3A_79 = arith.constant 0 : index
    %get3A_80 = arith.constant 0 : index
    %get3A_81 = vector.load %arg3[%get3A_79, %get3A_80] : memref<8x128xf32, #tpu.memory_space<vmem>>, vector<8x128xf32>
    %get3A_82 = arith.constant 0 : index
    %get3A_83 = arith.constant 0 : index
    %get3A_84 = vector.load %arg4[%get3A_82, %get3A_83] : memref<8x128xf32, #tpu.memory_space<vmem>>, vector<8x128xf32>
    %get3A_85 = arith.constant 0 : index
    %get3A_86 = arith.constant 0 : index
    %get3A_87 = vector.load %arg5[%get3A_85, %get3A_86] : memref<8x128xf32, #tpu.memory_space<vmem>>, vector<8x128xf32>
    %eq3A_88 = arith.constant 0 : i32
    %eq3A_89 = vector.broadcast %eq3A_88 : i32 to vector<8x128xi32>
    %eq3A_90 = arith.cmpi eq, %add3A_8, %eq3A_89 : vector<8x128xi32>
    %jit3A_91 = arith.constant 0.000000e+00 : f32
    %broadcast_in_dim3A_92 = vector.broadcast %jit3A_91 : f32 to vector<8x128xf32>
    %select_n3A_93 = arith.select %eq3A_90, %get3A_81, %broadcast_in_dim3A_92 : vector<8x128xi1>, vector<8x128xf32>
    %reduce_sum3A_94 = vector.shape_cast %select_n3A_93 : vector<8x128xf32> to vector<1x8x128xf32>
    %reduce_sum3A_95 = arith.constant dense<0.000000e+00> : vector<1xf32>
    %reduce_sum3A_96 = vector.multi_reduction <add>, %reduce_sum3A_94, %reduce_sum3A_95 [1, 2] : vector<1x8x128xf32> to vector<1xf32>
    %reduce_sum3A_97 = vector.shape_cast %reduce_sum3A_96 : vector<1xf32> to vector<1x1x1xf32>
    %reduce_sum3A_98 = vector.extract %reduce_sum3A_97[0, 0, 0] : f32 from vector<1x1x1xf32>
    %jit3A_99 = arith.constant 0.000000e+00 : f32
    %broadcast_in_dim3A_100 = vector.broadcast %jit3A_99 : f32 to vector<8x128xf32>
    %select_n3A_101 = arith.select %eq3A_90, %get3A_84, %broadcast_in_dim3A_100 : vector<8x128xi1>, vector<8x128xf32>
    %reduce_sum3A_102 = vector.shape_cast %select_n3A_101 : vector<8x128xf32> to vector<1x8x128xf32>
    %reduce_sum3A_103 = arith.constant dense<0.000000e+00> : vector<1xf32>
    %reduce_sum3A_104 = vector.multi_reduction <add>, %reduce_sum3A_102, %reduce_sum3A_103 [1, 2] : vector<1x8x128xf32> to vector<1xf32>
    %reduce_sum3A_105 = vector.shape_cast %reduce_sum3A_104 : vector<1xf32> to vector<1x1x1xf32>
    %reduce_sum3A_106 = vector.extract %reduce_sum3A_105[0, 0, 0] : f32 from vector<1x1x1xf32>
    %jit3A_107 = arith.constant 0.000000e+00 : f32
    %broadcast_in_dim3A_108 = vector.broadcast %jit3A_107 : f32 to vector<8x128xf32>
    %select_n3A_109 = arith.select %eq3A_90, %get3A_87, %broadcast_in_dim3A_108 : vector<8x128xi1>, vector<8x128xf32>
    %reduce_sum3A_110 = vector.shape_cast %select_n3A_109 : vector<8x128xf32> to vector<1x8x128xf32>
    %reduce_sum3A_111 = arith.constant dense<0.000000e+00> : vector<1xf32>
    %reduce_sum3A_112 = vector.multi_reduction <add>, %reduce_sum3A_110, %reduce_sum3A_111 [1, 2] : vector<1x8x128xf32> to vector<1xf32>
    %reduce_sum3A_113 = vector.shape_cast %reduce_sum3A_112 : vector<1xf32> to vector<1x1x1xf32>
    %reduce_sum3A_114 = vector.extract %reduce_sum3A_113[0, 0, 0] : f32 from vector<1x1x1xf32>
    %sub3A_115 = vector.broadcast %reduce_sum3A_98 : f32 to vector<8x128xf32>
    %sub3A_116 = arith.subf %get3A_81, %sub3A_115 : vector<8x128xf32>
    %sub3A_117 = vector.broadcast %reduce_sum3A_106 : f32 to vector<8x128xf32>
    %sub3A_118 = arith.subf %get3A_84, %sub3A_117 : vector<8x128xf32>
    %sub3A_119 = vector.broadcast %reduce_sum3A_114 : f32 to vector<8x128xf32>
    %sub3A_120 = arith.subf %get3A_87, %sub3A_119 : vector<8x128xf32>
    %mul3A_121 = arith.mulf %sub3A_116, %sub3A_116 : vector<8x128xf32>
    %mul3A_122 = arith.mulf %sub3A_118, %sub3A_118 : vector<8x128xf32>
    %add3A_123 = arith.addf %mul3A_121, %mul3A_122 : vector<8x128xf32>
    %mul3A_124 = arith.mulf %sub3A_120, %sub3A_120 : vector<8x128xf32>
    %add3A_125 = arith.addf %add3A_123, %mul3A_124 : vector<8x128xf32>
    %jit3A_126 = arith.constant 0.000000e+00 : f32
    %broadcast_in_dim3A_127 = vector.broadcast %reduce_sum3A_98 : f32 to vector<8x128xf32>
    %broadcast_in_dim3A_128 = vector.broadcast %jit3A_126 : f32 to vector<8x128xf32>
    %select_n3A_129 = arith.select %eq3A_90, %broadcast_in_dim3A_127, %broadcast_in_dim3A_128 : vector<8x128xi1>, vector<8x128xf32>
    %swap3A_130 = arith.constant 0 : index
    %swap3A_131 = arith.constant 0 : index
    %swap3A_132 = vector.load %arg6[%swap3A_130, %swap3A_131] : memref<8x128xf32, #tpu.memory_space<vmem>>, vector<8x128xf32>
    tpu.vector_store %arg6[%swap3A_130, %swap3A_131], %select_n3A_129 {strides = array<i32>} : memref<8x128xf32, #tpu.memory_space<vmem>>, vector<8x128xf32>,
    %jit3A_133 = arith.constant 0.000000e+00 : f32
    %broadcast_in_dim3A_134 = vector.broadcast %reduce_sum3A_106 : f32 to vector<8x128xf32>
    %broadcast_in_dim3A_135 = vector.broadcast %jit3A_133 : f32 to vector<8x128xf32>
    %select_n3A_136 = arith.select %eq3A_90, %broadcast_in_dim3A_134, %broadcast_in_dim3A_135 : vector<8x128xi1>, vector<8x128xf32>
    %swap3A_137 = arith.constant 0 : index
    %swap3A_138 = arith.constant 0 : index
    %swap3A_139 = vector.load %arg7[%swap3A_137, %swap3A_138] : memref<8x128xf32, #tpu.memory_space<vmem>>, vector<8x128xf32>
    tpu.vector_store %arg7[%swap3A_137, %swap3A_138], %select_n3A_136 {strides = array<i32>} : memref<8x128xf32, #tpu.memory_space<vmem>>, vector<8x128xf32>,
    %jit3A_140 = arith.constant 0.000000e+00 : f32
    %broadcast_in_dim3A_141 = vector.broadcast %reduce_sum3A_114 : f32 to vector<8x128xf32>
    %broadcast_in_dim3A_142 = vector.broadcast %jit3A_140 : f32 to vector<8x128xf32>
    %select_n3A_143 = arith.select %eq3A_90, %broadcast_in_dim3A_141, %broadcast_in_dim3A_142 : vector<8x128xi1>, vector<8x128xf32>
    %swap3A_144 = arith.constant 0 : index
    %swap3A_145 = arith.constant 0 : index
    %swap3A_146 = vector.load %arg8[%swap3A_144, %swap3A_145] : memref<8x128xf32, #tpu.memory_space<vmem>>, vector<8x128xf32>
    tpu.vector_store %arg8[%swap3A_144, %swap3A_145], %select_n3A_143 {strides = array<i32>} : memref<8x128xf32, #tpu.memory_space<vmem>>, vector<8x128xf32>,
    %scan3A_147 = arith.constant 1 : i32
    %scan3A_148 = arith.constant 31 : i32
    %scan3A_149 = arith.addi %scan3A_147, %scan3A_148 : i32
    %scan3A_150 = arith.constant 1 : i32
    %scan3A_151 = scf.for %scan3A_153 = %scan3A_147 to %scan3A_149 step %scan3A_150 iter_args(%scan3A_154 = %add3A_125) -> (vector<8x128xf32>)  : i32 {
      %reduce_max3A = vector.shape_cast %scan3A_154 : vector<8x128xf32> to vector<1x8x128xf32>
      %reduce_max3A_155 = arith.constant dense<0xFF800000> : vector<1xf32>
      %reduce_max3A_156 = vector.multi_reduction <maximumf>, %reduce_max3A, %reduce_max3A_155 [1, 2] : vector<1x8x128xf32> to vector<1xf32>
      %reduce_max3A_157 = vector.shape_cast %reduce_max3A_156 : vector<1xf32> to vector<1x1x1xf32>
      %reduce_max3A_158 = vector.extract %reduce_max3A_157[0, 0, 0] : f32 from vector<1x1x1xf32>
      %eq3A_159 = vector.broadcast %reduce_max3A_158 : f32 to vector<8x128xf32>
      %eq3A_160 = arith.cmpf oeq, %scan3A_154, %eq3A_159 : vector<8x128xf32>
      %jit3A_161 = arith.constant 1073741824 : i32
      %broadcast_in_dim3A_162 = vector.broadcast %jit3A_161 : i32 to vector<8x128xi32>
      %select_n3A_163 = arith.select %eq3A_160, %add3A_8, %broadcast_in_dim3A_162 : vector<8x128xi1>, vector<8x128xi32>
      %reduce_min3A = vector.shape_cast %select_n3A_163 : vector<8x128xi32> to vector<1x8x128xi32>
      %reduce_min3A_164 = arith.constant dense<2147483647> : vector<1xi32>
      %reduce_min3A_165 = vector.multi_reduction <minsi>, %reduce_min3A, %reduce_min3A_164 [1, 2] : vector<1x8x128xi32> to vector<1xi32>
      %reduce_min3A_166 = vector.shape_cast %reduce_min3A_165 : vector<1xi32> to vector<1x1x1xi32>
      %reduce_min3A_167 = vector.extract %reduce_min3A_166[0, 0, 0] : i32 from vector<1x1x1xi32>
      %eq3A_168 = vector.broadcast %reduce_min3A_167 : i32 to vector<8x128xi32>
      %eq3A_169 = arith.cmpi eq, %add3A_8, %eq3A_168 : vector<8x128xi32>
      %jit3A_170 = arith.constant 0.000000e+00 : f32
      %broadcast_in_dim3A_171 = vector.broadcast %jit3A_170 : f32 to vector<8x128xf32>
      %select_n3A_172 = arith.select %eq3A_169, %get3A_81, %broadcast_in_dim3A_171 : vector<8x128xi1>, vector<8x128xf32>
      %reduce_sum3A_173 = vector.shape_cast %select_n3A_172 : vector<8x128xf32> to vector<1x8x128xf32>
      %reduce_sum3A_174 = arith.constant dense<0.000000e+00> : vector<1xf32>
      %reduce_sum3A_175 = vector.multi_reduction <add>, %reduce_sum3A_173, %reduce_sum3A_174 [1, 2] : vector<1x8x128xf32> to vector<1xf32>
      %reduce_sum3A_176 = vector.shape_cast %reduce_sum3A_175 : vector<1xf32> to vector<1x1x1xf32>
      %reduce_sum3A_177 = vector.extract %reduce_sum3A_176[0, 0, 0] : f32 from vector<1x1x1xf32>
      %jit3A_178 = arith.constant 0.000000e+00 : f32
      %broadcast_in_dim3A_179 = vector.broadcast %jit3A_178 : f32 to vector<8x128xf32>
      %select_n3A_180 = arith.select %eq3A_169, %get3A_84, %broadcast_in_dim3A_179 : vector<8x128xi1>, vector<8x128xf32>
      %reduce_sum3A_181 = vector.shape_cast %select_n3A_180 : vector<8x128xf32> to vector<1x8x128xf32>
      %reduce_sum3A_182 = arith.constant dense<0.000000e+00> : vector<1xf32>
      %reduce_sum3A_183 = vector.multi_reduction <add>, %reduce_sum3A_181, %reduce_sum3A_182 [1, 2] : vector<1x8x128xf32> to vector<1xf32>
      %reduce_sum3A_184 = vector.shape_cast %reduce_sum3A_183 : vector<1xf32> to vector<1x1x1xf32>
      %reduce_sum3A_185 = vector.extract %reduce_sum3A_184[0, 0, 0] : f32 from vector<1x1x1xf32>
      %jit3A_186 = arith.constant 0.000000e+00 : f32
      %broadcast_in_dim3A_187 = vector.broadcast %jit3A_186 : f32 to vector<8x128xf32>
      %select_n3A_188 = arith.select %eq3A_169, %get3A_87, %broadcast_in_dim3A_187 : vector<8x128xi1>, vector<8x128xf32>
      %reduce_sum3A_189 = vector.shape_cast %select_n3A_188 : vector<8x128xf32> to vector<1x8x128xf32>
      %reduce_sum3A_190 = arith.constant dense<0.000000e+00> : vector<1xf32>
      %reduce_sum3A_191 = vector.multi_reduction <add>, %reduce_sum3A_189, %reduce_sum3A_190 [1, 2] : vector<1x8x128xf32> to vector<1xf32>
      %reduce_sum3A_192 = vector.shape_cast %reduce_sum3A_191 : vector<1xf32> to vector<1x1x1xf32>
      %reduce_sum3A_193 = vector.extract %reduce_sum3A_192[0, 0, 0] : f32 from vector<1x1x1xf32>
      %sub3A_194 = vector.broadcast %reduce_sum3A_177 : f32 to vector<8x128xf32>
      %sub3A_195 = arith.subf %get3A_81, %sub3A_194 : vector<8x128xf32>
      %sub3A_196 = vector.broadcast %reduce_sum3A_185 : f32 to vector<8x128xf32>
      %sub3A_197 = arith.subf %get3A_84, %sub3A_196 : vector<8x128xf32>
      %sub3A_198 = vector.broadcast %reduce_sum3A_193 : f32 to vector<8x128xf32>
      %sub3A_199 = arith.subf %get3A_87, %sub3A_198 : vector<8x128xf32>
      %mul3A_200 = arith.mulf %sub3A_195, %sub3A_195 : vector<8x128xf32>
      %mul3A_201 = arith.mulf %sub3A_197, %sub3A_197 : vector<8x128xf32>
      %add3A_202 = arith.addf %mul3A_200, %mul3A_201 : vector<8x128xf32>
      %mul3A_203 = arith.mulf %sub3A_199, %sub3A_199 : vector<8x128xf32>
      %add3A_204 = arith.addf %add3A_202, %mul3A_203 : vector<8x128xf32>
      %eq3A_205 = vector.broadcast %scan3A_153 : i32 to vector<8x128xi32>
      %eq3A_206 = arith.cmpi eq, %add3A_8, %eq3A_205 : vector<8x128xi32>
      %get3A_207 = arith.constant 0 : index
      %get3A_208 = arith.constant 0 : index
      %get3A_209 = vector.load %arg6[%get3A_207, %get3A_208] : memref<8x128xf32, #tpu.memory_space<vmem>>, vector<8x128xf32>
      %broadcast_in_dim3A_210 = vector.broadcast %reduce_sum3A_177 : f32 to vector<8x128xf32>
      %select_n3A_211 = arith.select %eq3A_206, %broadcast_in_dim3A_210, %get3A_209 : vector<8x128xi1>, vector<8x128xf32>
      %swap3A_212 = arith.constant 0 : index
      %swap3A_213 = arith.constant 0 : index
      %swap3A_214 = vector.load %arg6[%swap3A_212, %swap3A_213] : memref<8x128xf32, #tpu.memory_space<vmem>>, vector<8x128xf32>
      tpu.vector_store %arg6[%swap3A_212, %swap3A_213], %select_n3A_211 {strides = array<i32>} : memref<8x128xf32, #tpu.memory_space<vmem>>, vector<8x128xf32>,
      %get3A_215 = arith.constant 0 : index
      %get3A_216 = arith.constant 0 : index
      %get3A_217 = vector.load %arg7[%get3A_215, %get3A_216] : memref<8x128xf32, #tpu.memory_space<vmem>>, vector<8x128xf32>
      %broadcast_in_dim3A_218 = vector.broadcast %reduce_sum3A_185 : f32 to vector<8x128xf32>
      %select_n3A_219 = arith.select %eq3A_206, %broadcast_in_dim3A_218, %get3A_217 : vector<8x128xi1>, vector<8x128xf32>
      %swap3A_220 = arith.constant 0 : index
      %swap3A_221 = arith.constant 0 : index
      %swap3A_222 = vector.load %arg7[%swap3A_220, %swap3A_221] : memref<8x128xf32, #tpu.memory_space<vmem>>, vector<8x128xf32>
      tpu.vector_store %arg7[%swap3A_220, %swap3A_221], %select_n3A_219 {strides = array<i32>} : memref<8x128xf32, #tpu.memory_space<vmem>>, vector<8x128xf32>,
      %get3A_223 = arith.constant 0 : index
      %get3A_224 = arith.constant 0 : index
      %get3A_225 = vector.load %arg8[%get3A_223, %get3A_224] : memref<8x128xf32, #tpu.memory_space<vmem>>, vector<8x128xf32>
      %broadcast_in_dim3A_226 = vector.broadcast %reduce_sum3A_193 : f32 to vector<8x128xf32>
      %select_n3A_227 = arith.select %eq3A_206, %broadcast_in_dim3A_226, %get3A_225 : vector<8x128xi1>, vector<8x128xf32>
      %swap3A_228 = arith.constant 0 : index
      %swap3A_229 = arith.constant 0 : index
      %swap3A_230 = vector.load %arg8[%swap3A_228, %swap3A_229] : memref<8x128xf32, #tpu.memory_space<vmem>>, vector<8x128xf32>
      tpu.vector_store %arg8[%swap3A_228, %swap3A_229], %select_n3A_227 {strides = array<i32>} : memref<8x128xf32, #tpu.memory_space<vmem>>, vector<8x128xf32>,
      %min3A = arith.minimumf %scan3A_154, %add3A_204 : vector<8x128xf32>
      scf.yield %min3A : vector<8x128xf32>
    }
    %scan3A_152 = arith.constant 31 : i32
    return
  }
}

module attributes {stable_mosaic.version = 14 : i64} {
  func.func @_knn0_kernel(%arg0: i32, %arg1: memref<8x3xf32, #tpu.memory_space<vmem>>, %arg2: memref<3x32768xf32, #tpu.memory_space<vmem>>, %arg3: memref<8x32xi32, #tpu.memory_space<vmem>>, %arg4: memref<8x32xf32, #tpu.memory_space<vmem>>, %arg5: memref<8x256x128xf32, #tpu.memory_space<vmem>>) attributes {dimension_semantics = [#tpu.dimension_semantics<arbitrary>], iteration_bounds = array<i64: 128>, scalar_prefetch = 0 : i64, scratch_operands = 1 : i64, tpu.core_type = #tpu.core_type<tc>, window_params = [{transform_indices = @transform_0, window_bounds = array<i64: 8, 3>}, {pipeline_mode = #tpu.pipeline_mode<synchronous>, transform_indices = @transform_1, window_bounds = array<i64: 3, 32768>}, {transform_indices = @transform_2, window_bounds = array<i64: 8, 32>}, {transform_indices = @transform_3, window_bounds = array<i64: 8, 32>}]} {
    %get3A = arith.constant 0 : index
    %get3A_0 = arith.constant 0 : index
    %get3A_1 = vector.load %arg1[%get3A, %get3A_0] : memref<8x3xf32, #tpu.memory_space<vmem>>, vector<8x3xf32>
    %get3A_2 = arith.constant 0 : index
    %get3A_3 = arith.constant 0 : index
    %get3A_4 = vector.load %arg2[%get3A_2, %get3A_3] : memref<3x32768xf32, #tpu.memory_space<vmem>>, vector<3x32768xf32>
    %slice3A = vector.extract_strided_slice %get3A_1 {offsets = [0, 0], sizes = [8, 1], strides = [1, 1]} : vector<8x3xf32> to vector<8x1xf32>
    %slice3A_5 = vector.extract_strided_slice %get3A_1 {offsets = [0, 0], sizes = [8, 1], strides = [1, 1]} : vector<8x3xf32> to vector<8x1xf32>
    %mul3A = arith.mulf %slice3A, %slice3A_5 : vector<8x1xf32>
    %slice3A_6 = vector.extract_strided_slice %get3A_1 {offsets = [0, 1], sizes = [8, 1], strides = [1, 1]} : vector<8x3xf32> to vector<8x1xf32>
    %slice3A_7 = vector.extract_strided_slice %get3A_1 {offsets = [0, 1], sizes = [8, 1], strides = [1, 1]} : vector<8x3xf32> to vector<8x1xf32>
    %mul3A_8 = arith.mulf %slice3A_6, %slice3A_7 : vector<8x1xf32>
    %add3A = arith.addf %mul3A, %mul3A_8 : vector<8x1xf32>
    %slice3A_9 = vector.extract_strided_slice %get3A_1 {offsets = [0, 2], sizes = [8, 1], strides = [1, 1]} : vector<8x3xf32> to vector<8x1xf32>
    %slice3A_10 = vector.extract_strided_slice %get3A_1 {offsets = [0, 2], sizes = [8, 1], strides = [1, 1]} : vector<8x3xf32> to vector<8x1xf32>
    %mul3A_11 = arith.mulf %slice3A_9, %slice3A_10 : vector<8x1xf32>
    %add3A_12 = arith.addf %add3A, %mul3A_11 : vector<8x1xf32>
    %slice3A_13 = vector.extract_strided_slice %get3A_4 {offsets = [0, 0], sizes = [1, 32768], strides = [1, 1]} : vector<3x32768xf32> to vector<1x32768xf32>
    %slice3A_14 = vector.extract_strided_slice %get3A_4 {offsets = [0, 0], sizes = [1, 32768], strides = [1, 1]} : vector<3x32768xf32> to vector<1x32768xf32>
    %mul3A_15 = arith.mulf %slice3A_13, %slice3A_14 : vector<1x32768xf32>
    %slice3A_16 = vector.extract_strided_slice %get3A_4 {offsets = [1, 0], sizes = [1, 32768], strides = [1, 1]} : vector<3x32768xf32> to vector<1x32768xf32>
    %slice3A_17 = vector.extract_strided_slice %get3A_4 {offsets = [1, 0], sizes = [1, 32768], strides = [1, 1]} : vector<3x32768xf32> to vector<1x32768xf32>
    %mul3A_18 = arith.mulf %slice3A_16, %slice3A_17 : vector<1x32768xf32>
    %add3A_19 = arith.addf %mul3A_15, %mul3A_18 : vector<1x32768xf32>
    %slice3A_20 = vector.extract_strided_slice %get3A_4 {offsets = [2, 0], sizes = [1, 32768], strides = [1, 1]} : vector<3x32768xf32> to vector<1x32768xf32>
    %slice3A_21 = vector.extract_strided_slice %get3A_4 {offsets = [2, 0], sizes = [1, 32768], strides = [1, 1]} : vector<3x32768xf32> to vector<1x32768xf32>
    %mul3A_22 = arith.mulf %slice3A_20, %slice3A_21 : vector<1x32768xf32>
    %add3A_23 = arith.addf %add3A_19, %mul3A_22 : vector<1x32768xf32>
    %dot_general3A = arith.constant dense<0.000000e+00> : vector<8x32768xf32>
    %dot_general3A_24 = tpu.matmul %get3A_1, %get3A_4, %dot_general3A {dimension_numbers = #tpu.dot_dimension_numbers<[1], [0], [0], [1], [0, 0, 1, 1], [], []>, transpose_lhs_hint = false} : vector<8x3xf32>, vector<3x32768xf32>, vector<8x32768xf32> -> vector<8x32768xf32>
    %add3A_25 = vector.broadcast %add3A_12 : vector<8x1xf32> to vector<8x32768xf32>
    %add3A_26 = vector.broadcast %add3A_23 : vector<1x32768xf32> to vector<8x32768xf32>
    %add3A_27 = arith.addf %add3A_25, %add3A_26 : vector<8x32768xf32>
    %mul3A_28 = arith.constant 2.000000e+00 : f32
    %mul3A_29 = vector.broadcast %mul3A_28 : f32 to vector<8x32768xf32>
    %mul3A_30 = arith.mulf %mul3A_29, %dot_general3A_24 : vector<8x32768xf32>
    %sub3A = arith.subf %add3A_27, %mul3A_30 : vector<8x32768xf32>
    %reshape3A = vector.shape_cast %sub3A : vector<8x32768xf32> to vector<8x256x128xf32>
    %swap3A = arith.constant 0 : index
    %swap3A_31 = arith.constant 0 : index
    %swap3A_32 = arith.constant 0 : index
    %swap3A_33 = vector.load %arg5[%swap3A, %swap3A_31, %swap3A_32] : memref<8x256x128xf32, #tpu.memory_space<vmem>>, vector<8x256x128xf32>
    tpu.vector_store %arg5[%swap3A, %swap3A_31, %swap3A_32], %reshape3A {strides = array<i32>} : memref<8x256x128xf32, #tpu.memory_space<vmem>>, vector<8x256x128xf32>,
    %reduce_min3A = arith.constant dense<0x7F800000> : vector<8x256xf32>
    %reduce_min3A_34 = vector.multi_reduction <minimumf>, %reshape3A, %reduce_min3A [2] : vector<8x256x128xf32> to vector<8x256xf32>
    %iota3A = tpu.iota {dimensions = array<i32: 1>} : vector<8x256xi32>
    %iota3A_35 = tpu.iota {dimensions = array<i32: 1>} : vector<8x32xi32>
    %broadcast_in_dim3A = arith.constant 0xFF800000 : f32
    %broadcast_in_dim3A_36 = vector.broadcast %broadcast_in_dim3A : f32 to vector<8x1xf32>
    %broadcast_in_dim3A_37 = arith.constant -1 : i32
    %broadcast_in_dim3A_38 = vector.broadcast %broadcast_in_dim3A_37 : i32 to vector<8x1xi32>
    %broadcast_in_dim3A_39 = arith.constant 0 : i32
    %broadcast_in_dim3A_40 = vector.broadcast %broadcast_in_dim3A_39 : i32 to vector<8x32xi32>
    %scan3A = arith.constant 0 : i32
    %scan3A_41 = arith.constant 32 : i32
    %scan3A_42 = arith.addi %scan3A, %scan3A_41 : i32
    %scan3A_43 = arith.constant 1 : i32
    %scan3A_44:3 = scf.for %scan3A_217 = %scan3A to %scan3A_42 step %scan3A_43 iter_args(%scan3A_218 = %broadcast_in_dim3A_36, %scan3A_219 = %broadcast_in_dim3A_38, %scan3A_220 = %broadcast_in_dim3A_40) -> (vector<8x1xf32>, vector<8x1xi32>, vector<8x32xi32>)  : i32 {
      %gt3A = vector.broadcast %scan3A_218 : vector<8x1xf32> to vector<8x256xf32>
      %gt3A_221 = arith.cmpf ogt, %reduce_min3A_34, %gt3A : vector<8x256xf32>
      %eq3A_222 = vector.broadcast %scan3A_218 : vector<8x1xf32> to vector<8x256xf32>
      %eq3A_223 = arith.cmpf oeq, %reduce_min3A_34, %eq3A_222 : vector<8x256xf32>
      %gt3A_224 = vector.broadcast %scan3A_219 : vector<8x1xi32> to vector<8x256xi32>
      %gt3A_225 = arith.cmpi sgt, %iota3A, %gt3A_224 : vector<8x256xi32>
      %and3A = arith.andi %eq3A_223, %gt3A_225 : vector<8x256xi1>
      %or3A = arith.ori %gt3A_221, %and3A : vector<8x256xi1>
      %jit3A = arith.constant 0x7F800000 : f32
      %broadcast_in_dim3A_226 = vector.broadcast %jit3A : f32 to vector<8x256xf32>
      %select_n3A = arith.select %or3A, %reduce_min3A_34, %broadcast_in_dim3A_226 : vector<8x256xi1>, vector<8x256xf32>
      %reduce_min3A_227 = arith.constant dense<0x7F800000> : vector<8xf32>
      %reduce_min3A_228 = vector.multi_reduction <minimumf>, %select_n3A, %reduce_min3A_227 [1] : vector<8x256xf32> to vector<8xf32>
      %broadcast_in_dim3A_229 = vector.shape_cast %reduce_min3A_228 : vector<8xf32> to vector<8x1xf32>
      %eq3A_230 = vector.broadcast %broadcast_in_dim3A_229 : vector<8x1xf32> to vector<8x256xf32>
      %eq3A_231 = arith.cmpf oeq, %reduce_min3A_34, %eq3A_230 : vector<8x256xf32>
      %and3A_232 = arith.andi %or3A, %eq3A_231 : vector<8x256xi1>
      %jit3A_233 = arith.constant 1073741824 : i32
      %broadcast_in_dim3A_234 = vector.broadcast %jit3A_233 : i32 to vector<8x256xi32>
      %select_n3A_235 = arith.select %and3A_232, %iota3A, %broadcast_in_dim3A_234 : vector<8x256xi1>, vector<8x256xi32>
      %reduce_min3A_236 = arith.constant dense<2147483647> : vector<8xi32>
      %reduce_min3A_237 = vector.multi_reduction <minsi>, %select_n3A_235, %reduce_min3A_236 [1] : vector<8x256xi32> to vector<8xi32>
      %broadcast_in_dim3A_238 = vector.shape_cast %reduce_min3A_237 : vector<8xi32> to vector<8x1xi32>
      %eq3A_239 = vector.broadcast %scan3A_217 : i32 to vector<8x32xi32>
      %eq3A_240 = arith.cmpi eq, %iota3A_35, %eq3A_239 : vector<8x32xi32>
      %broadcast_in_dim3A_241 = vector.shape_cast %broadcast_in_dim3A_238 : vector<8x1xi32> to vector<8x1xi32>
      %broadcast_in_dim3A_242 = vector.broadcast %broadcast_in_dim3A_241 : vector<8x1xi32> to vector<8x32xi32>
      %select_n3A_243 = arith.select %eq3A_240, %broadcast_in_dim3A_242, %scan3A_220 : vector<8x32xi1>, vector<8x32xi32>
      scf.yield %broadcast_in_dim3A_229, %broadcast_in_dim3A_238, %select_n3A_243 : vector<8x1xf32>, vector<8x1xi32>, vector<8x32xi32>
    }
    %scan3A_45 = arith.constant 32 : i32
    %iota3A_46 = tpu.iota {dimensions = array<i32: 0>} : vector<256x128xi32>
    %mul3A_47 = arith.constant 128 : i32
    %mul3A_48 = vector.broadcast %mul3A_47 : i32 to vector<256x128xi32>
    %mul3A_49 = arith.muli %iota3A_46, %mul3A_48 : vector<256x128xi32>
    %iota3A_50 = tpu.iota {dimensions = array<i32: 1>} : vector<256x128xi32>
    %add3A_51 = arith.addi %mul3A_49, %iota3A_50 : vector<256x128xi32>
    %convert_element_type3A = arith.sitofp %add3A_51 : vector<256x128xi32> to vector<256x128xf32>
    %slice3A_52 = vector.extract_strided_slice %scan3A_44#2 {offsets = [0, 0], sizes = [1, 32], strides = [1, 1]} : vector<8x32xi32> to vector<1x32xi32>
    %reshape3A_53 = vector.shape_cast %slice3A_52 : vector<1x32xi32> to vector<32x1xi32>
    %iota3A_54 = tpu.iota {dimensions = array<i32: 1>} : vector<32x256xi32>
    %eq3A = vector.broadcast %reshape3A_53 : vector<32x1xi32> to vector<32x256xi32>
    %eq3A_55 = arith.cmpi eq, %eq3A, %iota3A_54 : vector<32x256xi32>
    %convert_element_type3A_56 = arith.extui %eq3A_55 : vector<32x256xi1> to vector<32x256xi32>
    %convert_element_type3A_57 = arith.sitofp %convert_element_type3A_56 : vector<32x256xi32> to vector<32x256xf32>
    %get3A_58 = arith.constant 0 : index
    %get3A_59 = arith.constant 0 : index
    %get3A_60 = arith.constant 0 : index
    %get3A_61 = vector.load %arg5[%get3A_58, %get3A_59, %get3A_60] : memref<8x256x128xf32, #tpu.memory_space<vmem>>, vector<1x256x128xf32>
    %get3A_62 = vector.shape_cast %get3A_61 : vector<1x256x128xf32> to vector<256x128xf32>
    %dot_general3A_63 = arith.constant dense<0.000000e+00> : vector<32x128xf32>
    %dot_general3A_64 = tpu.matmul %convert_element_type3A_57, %get3A_62, %dot_general3A_63 {dimension_numbers = #tpu.dot_dimension_numbers<[1], [0], [0], [1], [0, 0, 1, 1], [], []>, precision = #tpu.contract_precision<fp32>, transpose_lhs_hint = false} : vector<32x256xf32>, vector<256x128xf32>, vector<32x128xf32> -> vector<32x128xf32>
    %dot_general3A_65 = arith.constant dense<0.000000e+00> : vector<32x128xf32>
    %dot_general3A_66 = tpu.matmul %convert_element_type3A_57, %convert_element_type3A, %dot_general3A_65 {dimension_numbers = #tpu.dot_dimension_numbers<[1], [0], [0], [1], [0, 0, 1, 1], [], []>, precision = #tpu.contract_precision<fp32>, transpose_lhs_hint = false} : vector<32x256xf32>, vector<256x128xf32>, vector<32x128xf32> -> vector<32x128xf32>
    %slice3A_67 = vector.extract_strided_slice %scan3A_44#2 {offsets = [1, 0], sizes = [1, 32], strides = [1, 1]} : vector<8x32xi32> to vector<1x32xi32>
    %reshape3A_68 = vector.shape_cast %slice3A_67 : vector<1x32xi32> to vector<32x1xi32>
    %iota3A_69 = tpu.iota {dimensions = array<i32: 1>} : vector<32x256xi32>
    %eq3A_70 = vector.broadcast %reshape3A_68 : vector<32x1xi32> to vector<32x256xi32>
    %eq3A_71 = arith.cmpi eq, %eq3A_70, %iota3A_69 : vector<32x256xi32>
    %convert_element_type3A_72 = arith.extui %eq3A_71 : vector<32x256xi1> to vector<32x256xi32>
    %convert_element_type3A_73 = arith.sitofp %convert_element_type3A_72 : vector<32x256xi32> to vector<32x256xf32>
    %get3A_74 = arith.constant 1 : index
    %get3A_75 = arith.constant 0 : index
    %get3A_76 = arith.constant 0 : index
    %get3A_77 = vector.load %arg5[%get3A_74, %get3A_75, %get3A_76] : memref<8x256x128xf32, #tpu.memory_space<vmem>>, vector<1x256x128xf32>
    %get3A_78 = vector.shape_cast %get3A_77 : vector<1x256x128xf32> to vector<256x128xf32>
    %dot_general3A_79 = arith.constant dense<0.000000e+00> : vector<32x128xf32>
    %dot_general3A_80 = tpu.matmul %convert_element_type3A_73, %get3A_78, %dot_general3A_79 {dimension_numbers = #tpu.dot_dimension_numbers<[1], [0], [0], [1], [0, 0, 1, 1], [], []>, precision = #tpu.contract_precision<fp32>, transpose_lhs_hint = false} : vector<32x256xf32>, vector<256x128xf32>, vector<32x128xf32> -> vector<32x128xf32>
    %dot_general3A_81 = arith.constant dense<0.000000e+00> : vector<32x128xf32>
    %dot_general3A_82 = tpu.matmul %convert_element_type3A_73, %convert_element_type3A, %dot_general3A_81 {dimension_numbers = #tpu.dot_dimension_numbers<[1], [0], [0], [1], [0, 0, 1, 1], [], []>, precision = #tpu.contract_precision<fp32>, transpose_lhs_hint = false} : vector<32x256xf32>, vector<256x128xf32>, vector<32x128xf32> -> vector<32x128xf32>
    %slice3A_83 = vector.extract_strided_slice %scan3A_44#2 {offsets = [2, 0], sizes = [1, 32], strides = [1, 1]} : vector<8x32xi32> to vector<1x32xi32>
    %reshape3A_84 = vector.shape_cast %slice3A_83 : vector<1x32xi32> to vector<32x1xi32>
    %iota3A_85 = tpu.iota {dimensions = array<i32: 1>} : vector<32x256xi32>
    %eq3A_86 = vector.broadcast %reshape3A_84 : vector<32x1xi32> to vector<32x256xi32>
    %eq3A_87 = arith.cmpi eq, %eq3A_86, %iota3A_85 : vector<32x256xi32>
    %convert_element_type3A_88 = arith.extui %eq3A_87 : vector<32x256xi1> to vector<32x256xi32>
    %convert_element_type3A_89 = arith.sitofp %convert_element_type3A_88 : vector<32x256xi32> to vector<32x256xf32>
    %get3A_90 = arith.constant 2 : index
    %get3A_91 = arith.constant 0 : index
    %get3A_92 = arith.constant 0 : index
    %get3A_93 = vector.load %arg5[%get3A_90, %get3A_91, %get3A_92] : memref<8x256x128xf32, #tpu.memory_space<vmem>>, vector<1x256x128xf32>
    %get3A_94 = vector.shape_cast %get3A_93 : vector<1x256x128xf32> to vector<256x128xf32>
    %dot_general3A_95 = arith.constant dense<0.000000e+00> : vector<32x128xf32>
    %dot_general3A_96 = tpu.matmul %convert_element_type3A_89, %get3A_94, %dot_general3A_95 {dimension_numbers = #tpu.dot_dimension_numbers<[1], [0], [0], [1], [0, 0, 1, 1], [], []>, precision = #tpu.contract_precision<fp32>, transpose_lhs_hint = false} : vector<32x256xf32>, vector<256x128xf32>, vector<32x128xf32> -> vector<32x128xf32>
    %dot_general3A_97 = arith.constant dense<0.000000e+00> : vector<32x128xf32>
    %dot_general3A_98 = tpu.matmul %convert_element_type3A_89, %convert_element_type3A, %dot_general3A_97 {dimension_numbers = #tpu.dot_dimension_numbers<[1], [0], [0], [1], [0, 0, 1, 1], [], []>, precision = #tpu.contract_precision<fp32>, transpose_lhs_hint = false} : vector<32x256xf32>, vector<256x128xf32>, vector<32x128xf32> -> vector<32x128xf32>
    %slice3A_99 = vector.extract_strided_slice %scan3A_44#2 {offsets = [3, 0], sizes = [1, 32], strides = [1, 1]} : vector<8x32xi32> to vector<1x32xi32>
    %reshape3A_100 = vector.shape_cast %slice3A_99 : vector<1x32xi32> to vector<32x1xi32>
    %iota3A_101 = tpu.iota {dimensions = array<i32: 1>} : vector<32x256xi32>
    %eq3A_102 = vector.broadcast %reshape3A_100 : vector<32x1xi32> to vector<32x256xi32>
    %eq3A_103 = arith.cmpi eq, %eq3A_102, %iota3A_101 : vector<32x256xi32>
    %convert_element_type3A_104 = arith.extui %eq3A_103 : vector<32x256xi1> to vector<32x256xi32>
    %convert_element_type3A_105 = arith.sitofp %convert_element_type3A_104 : vector<32x256xi32> to vector<32x256xf32>
    %get3A_106 = arith.constant 3 : index
    %get3A_107 = arith.constant 0 : index
    %get3A_108 = arith.constant 0 : index
    %get3A_109 = vector.load %arg5[%get3A_106, %get3A_107, %get3A_108] : memref<8x256x128xf32, #tpu.memory_space<vmem>>, vector<1x256x128xf32>
    %get3A_110 = vector.shape_cast %get3A_109 : vector<1x256x128xf32> to vector<256x128xf32>
    %dot_general3A_111 = arith.constant dense<0.000000e+00> : vector<32x128xf32>
    %dot_general3A_112 = tpu.matmul %convert_element_type3A_105, %get3A_110, %dot_general3A_111 {dimension_numbers = #tpu.dot_dimension_numbers<[1], [0], [0], [1], [0, 0, 1, 1], [], []>, precision = #tpu.contract_precision<fp32>, transpose_lhs_hint = false} : vector<32x256xf32>, vector<256x128xf32>, vector<32x128xf32> -> vector<32x128xf32>
    %dot_general3A_113 = arith.constant dense<0.000000e+00> : vector<32x128xf32>
    %dot_general3A_114 = tpu.matmul %convert_element_type3A_105, %convert_element_type3A, %dot_general3A_113 {dimension_numbers = #tpu.dot_dimension_numbers<[1], [0], [0], [1], [0, 0, 1, 1], [], []>, precision = #tpu.contract_precision<fp32>, transpose_lhs_hint = false} : vector<32x256xf32>, vector<256x128xf32>, vector<32x128xf32> -> vector<32x128xf32>
    %slice3A_115 = vector.extract_strided_slice %scan3A_44#2 {offsets = [4, 0], sizes = [1, 32], strides = [1, 1]} : vector<8x32xi32> to vector<1x32xi32>
    %reshape3A_116 = vector.shape_cast %slice3A_115 : vector<1x32xi32> to vector<32x1xi32>
    %iota3A_117 = tpu.iota {dimensions = array<i32: 1>} : vector<32x256xi32>
    %eq3A_118 = vector.broadcast %reshape3A_116 : vector<32x1xi32> to vector<32x256xi32>
    %eq3A_119 = arith.cmpi eq, %eq3A_118, %iota3A_117 : vector<32x256xi32>
    %convert_element_type3A_120 = arith.extui %eq3A_119 : vector<32x256xi1> to vector<32x256xi32>
    %convert_element_type3A_121 = arith.sitofp %convert_element_type3A_120 : vector<32x256xi32> to vector<32x256xf32>
    %get3A_122 = arith.constant 4 : index
    %get3A_123 = arith.constant 0 : index
    %get3A_124 = arith.constant 0 : index
    %get3A_125 = vector.load %arg5[%get3A_122, %get3A_123, %get3A_124] : memref<8x256x128xf32, #tpu.memory_space<vmem>>, vector<1x256x128xf32>
    %get3A_126 = vector.shape_cast %get3A_125 : vector<1x256x128xf32> to vector<256x128xf32>
    %dot_general3A_127 = arith.constant dense<0.000000e+00> : vector<32x128xf32>
    %dot_general3A_128 = tpu.matmul %convert_element_type3A_121, %get3A_126, %dot_general3A_127 {dimension_numbers = #tpu.dot_dimension_numbers<[1], [0], [0], [1], [0, 0, 1, 1], [], []>, precision = #tpu.contract_precision<fp32>, transpose_lhs_hint = false} : vector<32x256xf32>, vector<256x128xf32>, vector<32x128xf32> -> vector<32x128xf32>
    %dot_general3A_129 = arith.constant dense<0.000000e+00> : vector<32x128xf32>
    %dot_general3A_130 = tpu.matmul %convert_element_type3A_121, %convert_element_type3A, %dot_general3A_129 {dimension_numbers = #tpu.dot_dimension_numbers<[1], [0], [0], [1], [0, 0, 1, 1], [], []>, precision = #tpu.contract_precision<fp32>, transpose_lhs_hint = false} : vector<32x256xf32>, vector<256x128xf32>, vector<32x128xf32> -> vector<32x128xf32>
    %slice3A_131 = vector.extract_strided_slice %scan3A_44#2 {offsets = [5, 0], sizes = [1, 32], strides = [1, 1]} : vector<8x32xi32> to vector<1x32xi32>
    %reshape3A_132 = vector.shape_cast %slice3A_131 : vector<1x32xi32> to vector<32x1xi32>
    %iota3A_133 = tpu.iota {dimensions = array<i32: 1>} : vector<32x256xi32>
    %eq3A_134 = vector.broadcast %reshape3A_132 : vector<32x1xi32> to vector<32x256xi32>
    %eq3A_135 = arith.cmpi eq, %eq3A_134, %iota3A_133 : vector<32x256xi32>
    %convert_element_type3A_136 = arith.extui %eq3A_135 : vector<32x256xi1> to vector<32x256xi32>
    %convert_element_type3A_137 = arith.sitofp %convert_element_type3A_136 : vector<32x256xi32> to vector<32x256xf32>
    %get3A_138 = arith.constant 5 : index
    %get3A_139 = arith.constant 0 : index
    %get3A_140 = arith.constant 0 : index
    %get3A_141 = vector.load %arg5[%get3A_138, %get3A_139, %get3A_140] : memref<8x256x128xf32, #tpu.memory_space<vmem>>, vector<1x256x128xf32>
    %get3A_142 = vector.shape_cast %get3A_141 : vector<1x256x128xf32> to vector<256x128xf32>
    %dot_general3A_143 = arith.constant dense<0.000000e+00> : vector<32x128xf32>
    %dot_general3A_144 = tpu.matmul %convert_element_type3A_137, %get3A_142, %dot_general3A_143 {dimension_numbers = #tpu.dot_dimension_numbers<[1], [0], [0], [1], [0, 0, 1, 1], [], []>, precision = #tpu.contract_precision<fp32>, transpose_lhs_hint = false} : vector<32x256xf32>, vector<256x128xf32>, vector<32x128xf32> -> vector<32x128xf32>
    %dot_general3A_145 = arith.constant dense<0.000000e+00> : vector<32x128xf32>
    %dot_general3A_146 = tpu.matmul %convert_element_type3A_137, %convert_element_type3A, %dot_general3A_145 {dimension_numbers = #tpu.dot_dimension_numbers<[1], [0], [0], [1], [0, 0, 1, 1], [], []>, precision = #tpu.contract_precision<fp32>, transpose_lhs_hint = false} : vector<32x256xf32>, vector<256x128xf32>, vector<32x128xf32> -> vector<32x128xf32>
    %slice3A_147 = vector.extract_strided_slice %scan3A_44#2 {offsets = [6, 0], sizes = [1, 32], strides = [1, 1]} : vector<8x32xi32> to vector<1x32xi32>
    %reshape3A_148 = vector.shape_cast %slice3A_147 : vector<1x32xi32> to vector<32x1xi32>
    %iota3A_149 = tpu.iota {dimensions = array<i32: 1>} : vector<32x256xi32>
    %eq3A_150 = vector.broadcast %reshape3A_148 : vector<32x1xi32> to vector<32x256xi32>
    %eq3A_151 = arith.cmpi eq, %eq3A_150, %iota3A_149 : vector<32x256xi32>
    %convert_element_type3A_152 = arith.extui %eq3A_151 : vector<32x256xi1> to vector<32x256xi32>
    %convert_element_type3A_153 = arith.sitofp %convert_element_type3A_152 : vector<32x256xi32> to vector<32x256xf32>
    %get3A_154 = arith.constant 6 : index
    %get3A_155 = arith.constant 0 : index
    %get3A_156 = arith.constant 0 : index
    %get3A_157 = vector.load %arg5[%get3A_154, %get3A_155, %get3A_156] : memref<8x256x128xf32, #tpu.memory_space<vmem>>, vector<1x256x128xf32>
    %get3A_158 = vector.shape_cast %get3A_157 : vector<1x256x128xf32> to vector<256x128xf32>
    %dot_general3A_159 = arith.constant dense<0.000000e+00> : vector<32x128xf32>
    %dot_general3A_160 = tpu.matmul %convert_element_type3A_153, %get3A_158, %dot_general3A_159 {dimension_numbers = #tpu.dot_dimension_numbers<[1], [0], [0], [1], [0, 0, 1, 1], [], []>, precision = #tpu.contract_precision<fp32>, transpose_lhs_hint = false} : vector<32x256xf32>, vector<256x128xf32>, vector<32x128xf32> -> vector<32x128xf32>
    %dot_general3A_161 = arith.constant dense<0.000000e+00> : vector<32x128xf32>
    %dot_general3A_162 = tpu.matmul %convert_element_type3A_153, %convert_element_type3A, %dot_general3A_161 {dimension_numbers = #tpu.dot_dimension_numbers<[1], [0], [0], [1], [0, 0, 1, 1], [], []>, precision = #tpu.contract_precision<fp32>, transpose_lhs_hint = false} : vector<32x256xf32>, vector<256x128xf32>, vector<32x128xf32> -> vector<32x128xf32>
    %slice3A_163 = vector.extract_strided_slice %scan3A_44#2 {offsets = [7, 0], sizes = [1, 32], strides = [1, 1]} : vector<8x32xi32> to vector<1x32xi32>
    %reshape3A_164 = vector.shape_cast %slice3A_163 : vector<1x32xi32> to vector<32x1xi32>
    %iota3A_165 = tpu.iota {dimensions = array<i32: 1>} : vector<32x256xi32>
    %eq3A_166 = vector.broadcast %reshape3A_164 : vector<32x1xi32> to vector<32x256xi32>
    %eq3A_167 = arith.cmpi eq, %eq3A_166, %iota3A_165 : vector<32x256xi32>
    %convert_element_type3A_168 = arith.extui %eq3A_167 : vector<32x256xi1> to vector<32x256xi32>
    %convert_element_type3A_169 = arith.sitofp %convert_element_type3A_168 : vector<32x256xi32> to vector<32x256xf32>
    %get3A_170 = arith.constant 7 : index
    %get3A_171 = arith.constant 0 : index
    %get3A_172 = arith.constant 0 : index
    %get3A_173 = vector.load %arg5[%get3A_170, %get3A_171, %get3A_172] : memref<8x256x128xf32, #tpu.memory_space<vmem>>, vector<1x256x128xf32>
    %get3A_174 = vector.shape_cast %get3A_173 : vector<1x256x128xf32> to vector<256x128xf32>
    %dot_general3A_175 = arith.constant dense<0.000000e+00> : vector<32x128xf32>
    %dot_general3A_176 = tpu.matmul %convert_element_type3A_169, %get3A_174, %dot_general3A_175 {dimension_numbers = #tpu.dot_dimension_numbers<[1], [0], [0], [1], [0, 0, 1, 1], [], []>, precision = #tpu.contract_precision<fp32>, transpose_lhs_hint = false} : vector<32x256xf32>, vector<256x128xf32>, vector<32x128xf32> -> vector<32x128xf32>
    %dot_general3A_177 = arith.constant dense<0.000000e+00> : vector<32x128xf32>
    %dot_general3A_178 = tpu.matmul %convert_element_type3A_169, %convert_element_type3A, %dot_general3A_177 {dimension_numbers = #tpu.dot_dimension_numbers<[1], [0], [0], [1], [0, 0, 1, 1], [], []>, precision = #tpu.contract_precision<fp32>, transpose_lhs_hint = false} : vector<32x256xf32>, vector<256x128xf32>, vector<32x128xf32> -> vector<32x128xf32>
    %stack3A = vector.shape_cast %dot_general3A_64 : vector<32x128xf32> to vector<1x32x128xf32>
    %stack3A_179 = vector.shape_cast %dot_general3A_80 : vector<32x128xf32> to vector<1x32x128xf32>
    %stack3A_180 = vector.shape_cast %dot_general3A_96 : vector<32x128xf32> to vector<1x32x128xf32>
    %stack3A_181 = vector.shape_cast %dot_general3A_112 : vector<32x128xf32> to vector<1x32x128xf32>
    %stack3A_182 = vector.shape_cast %dot_general3A_128 : vector<32x128xf32> to vector<1x32x128xf32>
    %stack3A_183 = vector.shape_cast %dot_general3A_144 : vector<32x128xf32> to vector<1x32x128xf32>
    %stack3A_184 = vector.shape_cast %dot_general3A_160 : vector<32x128xf32> to vector<1x32x128xf32>
    %stack3A_185 = vector.shape_cast %dot_general3A_176 : vector<32x128xf32> to vector<1x32x128xf32>
    %stack3A_186 = tpu.concatenate %stack3A, %stack3A_179, %stack3A_180, %stack3A_181, %stack3A_182, %stack3A_183, %stack3A_184, %stack3A_185 in 0 : vector<1x32x128xf32>, vector<1x32x128xf32>, vector<1x32x128xf32>, vector<1x32x128xf32>, vector<1x32x128xf32>, vector<1x32x128xf32>, vector<1x32x128xf32>, vector<1x32x128xf32> -> vector<8x32x128xf32>
    %stack3A_187 = vector.shape_cast %dot_general3A_66 : vector<32x128xf32> to vector<1x32x128xf32>
    %stack3A_188 = vector.shape_cast %dot_general3A_82 : vector<32x128xf32> to vector<1x32x128xf32>
    %stack3A_189 = vector.shape_cast %dot_general3A_98 : vector<32x128xf32> to vector<1x32x128xf32>
    %stack3A_190 = vector.shape_cast %dot_general3A_114 : vector<32x128xf32> to vector<1x32x128xf32>
    %stack3A_191 = vector.shape_cast %dot_general3A_130 : vector<32x128xf32> to vector<1x32x128xf32>
    %stack3A_192 = vector.shape_cast %dot_general3A_146 : vector<32x128xf32> to vector<1x32x128xf32>
    %stack3A_193 = vector.shape_cast %dot_general3A_162 : vector<32x128xf32> to vector<1x32x128xf32>
    %stack3A_194 = vector.shape_cast %dot_general3A_178 : vector<32x128xf32> to vector<1x32x128xf32>
    %stack3A_195 = tpu.concatenate %stack3A_187, %stack3A_188, %stack3A_189, %stack3A_190, %stack3A_191, %stack3A_192, %stack3A_193, %stack3A_194 in 0 : vector<1x32x128xf32>, vector<1x32x128xf32>, vector<1x32x128xf32>, vector<1x32x128xf32>, vector<1x32x128xf32>, vector<1x32x128xf32>, vector<1x32x128xf32>, vector<1x32x128xf32> -> vector<8x32x128xf32>
    %convert_element_type3A_196 = arith.fptosi %stack3A_195 : vector<8x32x128xf32> to vector<8x32x128xi32>
    %broadcast_in_dim3A_197 = arith.constant 0xFF800000 : f32
    %broadcast_in_dim3A_198 = vector.broadcast %broadcast_in_dim3A_197 : f32 to vector<8x1xf32>
    %broadcast_in_dim3A_199 = arith.constant -1 : i32
    %broadcast_in_dim3A_200 = vector.broadcast %broadcast_in_dim3A_199 : i32 to vector<8x1xi32>
    %broadcast_in_dim3A_201 = arith.constant 0 : i32
    %broadcast_in_dim3A_202 = vector.broadcast %broadcast_in_dim3A_201 : i32 to vector<8x32xi32>
    %broadcast_in_dim3A_203 = arith.constant 0.000000e+00 : f32
    %broadcast_in_dim3A_204 = vector.broadcast %broadcast_in_dim3A_203 : f32 to vector<8x32xf32>
    %scan3A_205 = arith.constant 0 : i32
    %scan3A_206 = arith.constant 32 : i32
    %scan3A_207 = arith.addi %scan3A_205, %scan3A_206 : i32
    %scan3A_208 = arith.constant 1 : i32
    %scan3A_209:4 = scf.for %scan3A_217 = %scan3A_205 to %scan3A_207 step %scan3A_208 iter_args(%scan3A_218 = %broadcast_in_dim3A_198, %scan3A_219 = %broadcast_in_dim3A_200, %scan3A_220 = %broadcast_in_dim3A_202, %scan3A_221 = %broadcast_in_dim3A_204) -> (vector<8x1xf32>, vector<8x1xi32>, vector<8x32xi32>, vector<8x32xf32>)  : i32 {
      %broadcast_in_dim3A_222 = vector.shape_cast %scan3A_218 : vector<8x1xf32> to vector<8x1x1xf32>
      %broadcast_in_dim3A_223 = vector.shape_cast %scan3A_219 : vector<8x1xi32> to vector<8x1x1xi32>
      %gt3A = vector.broadcast %broadcast_in_dim3A_222 : vector<8x1x1xf32> to vector<8x32x128xf32>
      %gt3A_224 = arith.cmpf ogt, %stack3A_186, %gt3A : vector<8x32x128xf32>
      %eq3A_225 = vector.broadcast %broadcast_in_dim3A_222 : vector<8x1x1xf32> to vector<8x32x128xf32>
      %eq3A_226 = arith.cmpf oeq, %stack3A_186, %eq3A_225 : vector<8x32x128xf32>
      %gt3A_227 = vector.broadcast %broadcast_in_dim3A_223 : vector<8x1x1xi32> to vector<8x32x128xi32>
      %gt3A_228 = arith.cmpi sgt, %convert_element_type3A_196, %gt3A_227 : vector<8x32x128xi32>
      %and3A = arith.andi %eq3A_226, %gt3A_228 : vector<8x32x128xi1>
      %or3A = arith.ori %gt3A_224, %and3A : vector<8x32x128xi1>
      %jit3A = arith.constant 0x7F800000 : f32
      %broadcast_in_dim3A_229 = vector.broadcast %jit3A : f32 to vector<8x32x128xf32>
      %select_n3A = arith.select %or3A, %stack3A_186, %broadcast_in_dim3A_229 : vector<8x32x128xi1>, vector<8x32x128xf32>
      %reduce_min3A_230 = arith.constant dense<0x7F800000> : vector<8xf32>
      %reduce_min3A_231 = vector.multi_reduction <minimumf>, %select_n3A, %reduce_min3A_230 [1, 2] : vector<8x32x128xf32> to vector<8xf32>
      %broadcast_in_dim3A_232 = vector.shape_cast %reduce_min3A_231 : vector<8xf32> to vector<8x1xf32>
      %broadcast_in_dim3A_233 = vector.shape_cast %broadcast_in_dim3A_232 : vector<8x1xf32> to vector<8x1x1xf32>
      %eq3A_234 = vector.broadcast %broadcast_in_dim3A_233 : vector<8x1x1xf32> to vector<8x32x128xf32>
      %eq3A_235 = arith.cmpf oeq, %stack3A_186, %eq3A_234 : vector<8x32x128xf32>
      %and3A_236 = arith.andi %or3A, %eq3A_235 : vector<8x32x128xi1>
      %jit3A_237 = arith.constant 1073741824 : i32
      %broadcast_in_dim3A_238 = vector.broadcast %jit3A_237 : i32 to vector<8x32x128xi32>
      %select_n3A_239 = arith.select %and3A_236, %convert_element_type3A_196, %broadcast_in_dim3A_238 : vector<8x32x128xi1>, vector<8x32x128xi32>
      %reduce_min3A_240 = arith.constant dense<2147483647> : vector<8xi32>
      %reduce_min3A_241 = vector.multi_reduction <minsi>, %select_n3A_239, %reduce_min3A_240 [1, 2] : vector<8x32x128xi32> to vector<8xi32>
      %broadcast_in_dim3A_242 = vector.shape_cast %reduce_min3A_241 : vector<8xi32> to vector<8x1xi32>
      %eq3A_243 = vector.broadcast %scan3A_217 : i32 to vector<8x32xi32>
      %eq3A_244 = arith.cmpi eq, %iota3A_35, %eq3A_243 : vector<8x32xi32>
      %broadcast_in_dim3A_245 = vector.shape_cast %broadcast_in_dim3A_242 : vector<8x1xi32> to vector<8x1xi32>
      %broadcast_in_dim3A_246 = vector.broadcast %broadcast_in_dim3A_245 : vector<8x1xi32> to vector<8x32xi32>
      %select_n3A_247 = arith.select %eq3A_244, %broadcast_in_dim3A_246, %scan3A_220 : vector<8x32xi1>, vector<8x32xi32>
      %eq3A_248 = vector.broadcast %scan3A_217 : i32 to vector<8x32xi32>
      %eq3A_249 = arith.cmpi eq, %iota3A_35, %eq3A_248 : vector<8x32xi32>
      %broadcast_in_dim3A_250 = vector.shape_cast %broadcast_in_dim3A_232 : vector<8x1xf32> to vector<8x1xf32>
      %broadcast_in_dim3A_251 = vector.broadcast %broadcast_in_dim3A_250 : vector<8x1xf32> to vector<8x32xf32>
      %select_n3A_252 = arith.select %eq3A_249, %broadcast_in_dim3A_251, %scan3A_221 : vector<8x32xi1>, vector<8x32xf32>
      scf.yield %broadcast_in_dim3A_232, %broadcast_in_dim3A_242, %select_n3A_247, %select_n3A_252 : vector<8x1xf32>, vector<8x1xi32>, vector<8x32xi32>, vector<8x32xf32>
    }
    %scan3A_210 = arith.constant 32 : i32
    %swap3A_211 = arith.constant 0 : index
    %swap3A_212 = arith.constant 0 : index
    %swap3A_213 = vector.load %arg3[%swap3A_211, %swap3A_212] : memref<8x32xi32, #tpu.memory_space<vmem>>, vector<8x32xi32>
    tpu.vector_store %arg3[%swap3A_211, %swap3A_212], %scan3A_209#2 {strides = array<i32>} : memref<8x32xi32, #tpu.memory_space<vmem>>, vector<8x32xi32>,
    %swap3A_214 = arith.constant 0 : index
    %swap3A_215 = arith.constant 0 : index
    %swap3A_216 = vector.load %arg4[%swap3A_214, %swap3A_215] : memref<8x32xf32, #tpu.memory_space<vmem>>, vector<8x32xf32>
    tpu.vector_store %arg4[%swap3A_214, %swap3A_215], %scan3A_209#3 {strides = array<i32>} : memref<8x32xf32, #tpu.memory_space<vmem>>, vector<8x32xf32>,
    return
  }
  func.func @transform_0(%arg0: i32) -> (i32, i32) {
    %c0_i32 = arith.constant 0 : i32
    %c0_i32_0 = arith.constant 0 : i32
    return %arg0, %c0_i32 : i32, i32
  }
  func.func @transform_1(%arg0: i32) -> (i32, i32) {
    %c0_i32 = arith.constant 0 : i32
    %c0_i32_0 = arith.constant 0 : i32
    %c0_i32_1 = arith.constant 0 : i32
    return %c0_i32, %c0_i32_0 : i32, i32
  }
  func.func @transform_2(%arg0: i32) -> (i32, i32) {
    %c0_i32 = arith.constant 0 : i32
    %c0_i32_0 = arith.constant 0 : i32
    return %arg0, %c0_i32 : i32, i32
  }
  func.func @transform_3(%arg0: i32) -> (i32, i32) {
    %c0_i32 = arith.constant 0 : i32
    %c0_i32_0 = arith.constant 0 : i32
    return %arg0, %c0_i32 : i32, i32
  }
}

module attributes {stable_mosaic.version = 14 : i64} {
  func.func @_decode_kernel(%arg0: memref<1024x64xf32, #tpu.memory_space<vmem>>, %arg1: memref<64x96xf32, #tpu.memory_space<vmem>>, %arg2: memref<1x96xf32, #tpu.memory_space<vmem>>, %arg3: memref<1024x3xf32, #tpu.memory_space<vmem>>, %arg4: memref<1024x96xf32, #tpu.memory_space<vmem>>) attributes {dimension_semantics = [], scalar_prefetch = 0 : i64, scratch_operands = 0 : i64, tpu.core_type = #tpu.core_type<tc>} {
    %get3A = arith.constant 0 : index
    %get3A_0 = arith.constant 0 : index
    %get3A_1 = vector.load %arg0[%get3A, %get3A_0] : memref<1024x64xf32, #tpu.memory_space<vmem>>, vector<1024x64xf32>
    %get3A_2 = arith.constant 0 : index
    %get3A_3 = arith.constant 0 : index
    %get3A_4 = vector.load %arg1[%get3A_2, %get3A_3] : memref<64x96xf32, #tpu.memory_space<vmem>>, vector<64x96xf32>
    %dot_general3A = arith.constant dense<0.000000e+00> : vector<1024x96xf32>
    %dot_general3A_5 = tpu.matmul %get3A_1, %get3A_4, %dot_general3A {dimension_numbers = #tpu.dot_dimension_numbers<[1], [0], [0], [1], [0, 0, 1, 1], [], []>, transpose_lhs_hint = false} : vector<1024x64xf32>, vector<64x96xf32>, vector<1024x96xf32> -> vector<1024x96xf32>
    %get3A_6 = arith.constant 0 : index
    %get3A_7 = arith.constant 0 : index
    %get3A_8 = vector.load %arg2[%get3A_6, %get3A_7] : memref<1x96xf32, #tpu.memory_space<vmem>>, vector<1x96xf32>
    %add3A = vector.broadcast %get3A_8 : vector<1x96xf32> to vector<1024x96xf32>
    %add3A_9 = arith.addf %dot_general3A_5, %add3A : vector<1024x96xf32>
    %tanh3A = math.tanh %add3A_9 : vector<1024x96xf32>
    %get3A_10 = arith.constant 0 : index
    %get3A_11 = arith.constant 0 : index
    %get3A_12 = vector.load %arg3[%get3A_10, %get3A_11] : memref<1024x3xf32, #tpu.memory_space<vmem>>, vector<1024x3xf32>
    %tile3A = tpu.concatenate %get3A_12, %get3A_12, %get3A_12, %get3A_12, %get3A_12, %get3A_12, %get3A_12, %get3A_12, %get3A_12, %get3A_12, %get3A_12, %get3A_12, %get3A_12, %get3A_12, %get3A_12, %get3A_12, %get3A_12, %get3A_12, %get3A_12, %get3A_12, %get3A_12, %get3A_12, %get3A_12, %get3A_12, %get3A_12, %get3A_12, %get3A_12, %get3A_12, %get3A_12, %get3A_12, %get3A_12, %get3A_12 in 1 : vector<1024x3xf32>, vector<1024x3xf32>, vector<1024x3xf32>, vector<1024x3xf32>, vector<1024x3xf32>, vector<1024x3xf32>, vector<1024x3xf32>, vector<1024x3xf32>, vector<1024x3xf32>, vector<1024x3xf32>, vector<1024x3xf32>, vector<1024x3xf32>, vector<1024x3xf32>, vector<1024x3xf32>, vector<1024x3xf32>, vector<1024x3xf32>, vector<1024x3xf32>, vector<1024x3xf32>, vector<1024x3xf32>, vector<1024x3xf32>, vector<1024x3xf32>, vector<1024x3xf32>, vector<1024x3xf32>, vector<1024x3xf32>, vector<1024x3xf32>, vector<1024x3xf32>, vector<1024x3xf32>, vector<1024x3xf32>, vector<1024x3xf32>, vector<1024x3xf32>, vector<1024x3xf32>, vector<1024x3xf32> -> vector<1024x96xf32>
    %mul3A = arith.constant 2.000000e-01 : f32
    %mul3A_13 = vector.broadcast %mul3A : f32 to vector<1024x96xf32>
    %mul3A_14 = arith.mulf %tanh3A, %mul3A_13 : vector<1024x96xf32>
    %add3A_15 = arith.addf %tile3A, %mul3A_14 : vector<1024x96xf32>
    %swap3A = arith.constant 0 : index
    %swap3A_16 = arith.constant 0 : index
    %swap3A_17 = vector.load %arg4[%swap3A, %swap3A_16] : memref<1024x96xf32, #tpu.memory_space<vmem>>, vector<1024x96xf32>
    tpu.vector_store %arg4[%swap3A, %swap3A_16], %add3A_15 {strides = array<i32>} : memref<1024x96xf32, #tpu.memory_space<vmem>>, vector<1024x96xf32>,
    return
  }
}

</mosaic_0001>

<sc_bundles>
// kernel: kernel.10.cloned.1.call-start
scs
__scs_entry_jumppad:
0x0: {  	(pc) =	sbr.rel $0x88, $3  }
0x1: {  	(tag) =	ssettag $0x0;
	lr =	simm.s32 $0x1  }
0x2: {  	[smem:$0x3F98] =	sst lr;
	_ =	strace $0xD0000000  }
0x3: {  	_ = 	snop  }
0x4: {  	_ = 	snop  }
0x5: {  	_ = 	snop  }
0x6: {  	_ = 	snop  }
0x7: {  	_ = 	snop  }
__scs_overlays_trampoline_lowered:
0x8: {  	[smem:$0x3FA7] =	sst s0  }
0x9: {  	[smem:$0x3FA8] =	sst s1  }
0xa: {  	[smem:$0x3FA9] =	sst s2  }
0xb: {  	[smem:$0x3FAA] =	sst s3  }
0xc: {  	[smem:$0x3FAB] =	sst s4  }
0xd: {  	[smem:$0x3FAC] =	sst s5  }
0xe: {  	[smem:$0x3FAD] =	sst s6  }
0xf: {  	[smem:$0x3FAE] =	sst s7  }
0x10: {  	[smem:$0x3FAF] =	sst s8  }
0x11: {  	[smem:$0x3FB0] =	sst s9;
	s0 =	simm.s32 @!p0 $0x0  }
0x12: {  	s1 =	sld [smem:$0x3F96];
	s0 =	simm.s32 @p0 $0x1  }
0x13: {  	[smem:$0x3FB1] =	sst s0;
	s0 =	simm.s32 @!p1 $0x0  }
0x14: {  	s2 =	sld [smem:$0x3F95];
	s0 =	simm.s32 @p1 $0x1  }
0x15: {  	[smem:$0x3FB2] =	sst s0;
	s0 =	simm.s32 @!p2 $0x0  }
0x16: {  	s3 =	sld [smem:$0x3FDB];
	s0 =	simm.s32 @p2 $0x1  }
0x17: {  	s4 =	simm.s32 $0x1BF5;
	[smem:$0x3FB4] =	sst s0  }
0x18: {  	s0 =	sld [smem:$0x3F97];
	_ =	swait.ge [sflag:s4], $0x0  }
0x19: {  	s7 =	sld [smem:$0x3F98]  }
0x1a: {  	s8 =	sadd.s32 $0xFFFFE003, lr  }
0x1b: {  	s9 =	sadd.s32 $0xFFFFFEF7, lr;
	s5 =	simm.s32 $0xFFFFFFFF;
	p2 =	slt.u32 s8, $0xFFFFF086  }
0x1c: {  	p1 =	slt.u32 s9, $0xF7A;
	s5 =	simm.s32 @!p2 $0x0  }
0x1d: {  	s5 =	simm.s32 @p1 $0x1;
	p0 =	seq.s32 s7, s2  }
0x1e: {  	s7 =	smul.u32 @!p0 $0xF7A, s2;
	p2 =	seq.s32 @!p0 s5, $0x0  }
0x1f: {  	s9 =	smul.u32 $0xF7A, s1;
	s8 =	simm.s32 @!p0 $0x1BF5;
	p2 =	por !p2, p0  }
0x20: {  	[sflag:s8] =	ssyncset.s32 @!p0 $0xFFFFF086;
	s6 =	sadd.s32 @!p0 s3, s7;
	s7 =	simm.s32 @!p0 $0x108  }
0x21: {  	s3 =	sadd.s32 s3, s9;
	s6 =	sadd.s32 @!p0 $0x88, s6;
	s7 =	simm.s32 @p2 $0x1082  }
0x22: {  	[simem:s7], [sflag:s8] =	dma.local @!p0 [hbm:s6], $0xF7A  }
0x23: {  	s9 =	sor.u32 $0xD0000000, s2;
	s6 =	simm.s32 $0x108;
	_ =	swait.ge @!p0 [sflag:s8], $0x0  }
0x24: {  	s3 =	sadd.s32 $0x88, s3;
	s6 =	simm.s32 @!p1 $0x1082;
	[sflag:s4] =	ssyncset.s32 $0xFFFFF086  }
0x25: {  	[simem:s6], [sflag:s4] =	dma.local [hbm:s3], $0xF7A  }
0x26: {  	[smem:$0x3F98] =	sst s1;
	(tag) =	ssettag s2;
	_ =	strace s9  }
0x27: {  	s1 =	sld [smem:$0x3FA8]  }
0x28: {  	s2 =	sld [smem:$0x3FA9]  }
0x29: {  	s4 =	sld [smem:$0x3FAB]  }
0x2a: {  	p0 =	seq.s32 s5, $0x0;
	s5 =	sld [smem:$0x3FAC]  }
0x2b: {  	s6 =	sld [smem:$0x3FAD]  }
0x2c: {  	s7 =	sld [smem:$0x3FAE]  }
0x2d: {  	s3 =	simm.s32 $0x108;
	s8 =	sld [smem:$0x3FAF]  }
0x2e: {  	s3 =	simm.s32 @!p0 $0x1082;
	s9 =	sld [smem:$0x3FB0]  }
0x2f: {  	lr =	sadd.s32 s0, s3;
	s0 =	sld [smem:$0x3FA7]  }
0x30: {  	s3 =	sld [smem:$0x3FAA]  }
0x31: {  	[smem:$0x3FB3] =	sst s10  }
0x32: {  	s10 =	sld [smem:$0x3FB1];
	_ =	sdelay $0x3  }
0x33: {  	p0 =	seq.s32 s10, $0x1;
	s10 =	sld [smem:$0x3FB3];
	_ =	sdelay $0x3  }
0x34: {  	[smem:$0x3FB3] =	sst s10  }
0x35: {  	s10 =	sld [smem:$0x3FB2];
	_ =	sdelay $0x3  }
0x36: {  	p1 =	seq.s32 s10, $0x1;
	s10 =	sld [smem:$0x3FB3];
	_ =	sdelay $0x3  }
0x37: {  	[smem:$0x3FB3] =	sst s10  }
0x38: {  	s10 =	sld [smem:$0x3FB4]  }
0x39: {  	_ = 	snop;
	(pc) =	sbr.ind lr, $3  }
0x3a: {  	_ = 	snop  }
0x3b: {  	_ = 	snop  }
0x3c: {  	p2 =	seq.s32 s10, $0x1;
	s10 =	sld [smem:$0x3FB3]  }
0x3d: {  	_ =	shalt  }
0x3e: {  	_ =	shalt  }
0x3f: {  	_ =	shalt  }
0x40: {  	_ =	shalt  }
0x41: {  	_ =	shalt  }
0x42: {  	_ =	shalt  }
0x43: {  	_ =	shalt  }
0x44: {  	_ =	shalt  }
0x45: {  	_ =	shalt  }
0x46: {  	_ =	shalt  }
0x47: {  	_ =	shalt  }
0x48: {  	_ =	shalt  }
0x49: {  	_ =	shalt  }
0x4a: {  	_ =	shalt  }
0x4b: {  	_ =	shalt  }
0x4c: {  	_ =	shalt  }
0x4d: {  	_ =	shalt  }
0x4e: {  	_ =	shalt  }
0x4f: {  	_ =	shalt  }
0x50: {  	_ =	shalt  }
0x51: {  	_ =	shalt  }
0x52: {  	_ =	shalt  }
0x53: {  	_ =	shalt  }
0x54: {  	_ =	shalt  }
0x55: {  	_ =	shalt  }
0x56: {  	_ =	shalt  }
0x57: {  	_ =	shalt  }
0x58: {  	_ =	shalt  }
0x59: {  	_ =	shalt  }
0x5a: {  	_ =	shalt  }
0x5b: {  	_ =	shalt  }
0x5c: {  	_ =	shalt  }
0x5d: {  	_ =	shalt  }
0x5e: {  	_ =	shalt  }
0x5f: {  	_ =	shalt  }
0x60: {  	_ =	shalt  }
0x61: {  	_ =	shalt  }
0x62: {  	_ =	shalt  }
0x63: {  	_ =	shalt  }
0x64: {  	_ =	shalt  }
0x65: {  	_ =	shalt  }
0x66: {  	_ =	shalt  }
0x67: {  	_ =	shalt  }
0x68: {  	_ =	shalt  }
0x69: {  	_ =	shalt  }
0x6a: {  	_ =	shalt  }
0x6b: {  	_ =	shalt  }
0x6c: {  	_ =	shalt  }
0x6d: {  	_ =	shalt  }
0x6e: {  	_ =	shalt  }
0x6f: {  	_ =	shalt  }
0x70: {  	_ =	shalt  }
0x71: {  	_ =	shalt  }
0x72: {  	_ =	shalt  }
0x73: {  	_ =	shalt  }
0x74: {  	_ =	shalt  }
0x75: {  	_ =	shalt  }
0x76: {  	_ =	shalt  }
0x77: {  	_ =	shalt  }
0x78: {  	_ =	shalt  }
0x79: {  	_ =	shalt  }
0x7a: {  	_ =	shalt  }
0x7b: {  	_ =	shalt  }
0x7c: {  	_ =	shalt  }
0x7d: {  	_ =	shalt  }
0x7e: {  	_ =	shalt  }
0x7f: {  	_ =	shalt  }
0x80: {  	_ =	shalt  }
0x81: {  	_ =	shalt  }
0x82: {  	_ =	shalt  }
0x83: {  	_ =	shalt  }
0x84: {  	_ =	shalt  }
0x85: {  	_ =	shalt  }
0x86: {  	_ =	shalt  }
0x87: {  	_ =	shalt  }
.Lfunc_end0:
.L_simem_size_0:
called_computation.1_lowered:
.L_overlay_start_0:
0x88: {  	s2 =	sld [smem:$0x3FD9]  }
0x89: {  	s3 =	sld [smem:$0x3FFE];
	_ =	sdelay $0x1  }
0x8a: {  	s1 =	srdreg.scid  }
0x8b: {  	s0 =	sand.u32 $0x1, s1  }
0x8c: {  	s15 =	sshll.u32 s0, $0xA;
	s2 =	sadd.s32 s3, s2  }
0x8d: {  	s2 =	sadd.s32 s2, s15  }
0x8e: {  	[smem:$0x3FBF] =	sst s2  }
0x8f: {  	_ = 	snop  }
0x90: {  	s2 =	sld [smem:$0x3FD0];
	_ =	sdelay $0x2  }
0x91: {  	s16 =	simm.s32 $0xB;
	s4 =	simm.s32 $0x10  }
0x92: {  	[smem:s4], [sflag:s16] =	dma.local [hbm:s2], $0x1  }
0x93: {  	_ =	swait.eq [sflag:s16], $0x1  }
0x94: {  	[sflag:s16] =	ssyncset.done $0x0  }
0x95: {  	[sflag:s16] =	ssyncadd.s32 $0xFFFFFFFF  }
0x96: {  	s17 =	sld [smem:$0x12];
	(tm) =	ssettm $0x1  }
0x97: {  	s18 =	sld [smem:$0x3FFB];
	_ =	sdelay $0x3  }
0x98: {  	_ =	strace s18  }
0x99: {  	s2 =	sld [smem:$0x3FFC];
	_ =	sdelay $0x3  }
0x9a: {  	_ =	strace s2  }
0x9b: {  	s2 =	sld [smem:$0x3FFD];
	_ =	sdelay $0x3  }
0x9c: {  	_ =	strace s2  }
0x9d: {  	_ =	strace $0x8FFFFFFF  }
0x9e: {  	s19 =	sld [smem:$0x3FDB];
	_ =	sdelay $0x1  }
0x9f: {  	s20 =	simm.s32 $_scs_section_size  }
0xa0: {  	s5 =	simm.s32 $_size__tile_overlayer_lowered;
	s6 =	simm.s32 $_tile_overlayer_lowered  }
0xa1: {  	s7 =	simm.s32 $0x1BFF;
	s21 =	sshll.u32 s6, $0x1;
	s4 =	sadd.s32 s20, s19  }
0xa2: {  	s22 =	simm.s32 $0x0;
	s5 =	sshll.u32 s5, $0x1;
	s6 =	sadd.s32 s21, s4  }
0xa3: {  	[timem:s22], [sflag:s7] =	dma.local [hbm:s6], s5  }
0xa4: {  	_ =	swait.ge [sflag:s7], s5  }
0xa5: {  	s5 =	ssub.s32 $0x0, s5;
	[sflag:s7] =	ssyncset.done $0x0  }
0xa6: {  	[sflag:s7] =	ssyncadd.s32 s5;
	_ =	sdelay $0x1  }
0xa7: {  	s23 =	simm.s32 $0x1B8B  }
0xa8: {  	_ =	swait.ge [sflag:s23], $0x1  }
0xa9: {  	[sflag:s23] =	ssyncset.done $0x0  }
0xaa: {  	[sflag:s23] =	ssyncadd.s32 $0xFFFFFFFF  }
0xab: {  	s5 =	sld [smem:$0x0]  }
0xac: {  	s6 =	sand.u32 $0xFFFFFFFE, s1  }
0xad: {  	p0 =	sne.s32 s1, s6  }
0xae: {  	s6 =	sshll.u32 @p0 s6, $0xE  }
0xaf: {  	s6 =	sadd.s32 @p0 $0x11B8D, s6;
	s7 =	sshll.u32 @p0 s5, $0x11  }
0xb0: {  	s6 =	sor.u32 @p0 s7, s6  }
0xb1: {  	[sflag:s6] =	ssyncadd.remote.s32 @p0 $0x1;
	_ =	sdelay $0x1  }
0xb2: {  	s6 =	simm.s32 @p0 $0x1B8D  }
0xb3: {  	_ =	swait.eq @p0 [sflag:s6], $0x1  }
0xb4: {  	[sflag:s6] =	ssyncadd.s32 @p0 $0xFFFFFFFF  }
0xb5: {  	s7 =	sshll.u32 @!p0 s1, $0xE  }
0xb6: {  	s7 =	sor.u32 @!p0 $0x4000, s7;
	s6 =	simm.s32 @!p0 $0x1B8D  }
0xb7: {  	s5 =	sshll.u32 @!p0 s5, $0x11;
	s7 =	sadd.s32 @!p0 $0x11B8D, s7;
	_ =	swait.eq @!p0 [sflag:s6], $0x1  }
0xb8: {  	s5 =	sor.u32 @!p0 s5, s7;
	[sflag:s6] =	ssyncadd.s32 @!p0 $0xFFFFFFFF  }
0xb9: {  	s25 =	simm.s32 $0x1B8E;
	s24 =	sld [smem:$0x3FFE];
	[sflag:s5] =	ssyncadd.remote.s32 @!p0 $0x1  }
0xba: {  	s26 =	simm.s32 $execute0_lowered;
	[smem:$0x3FD2] =	sst s25  }
0xbb: {  	s6 =	sshll.u32 s26, $0x1;
	_ =	strace $0x80000049;
	[dreg:$0x1] =	wrdreg $0xFFFFFFFF  }
0xbc: {  	s28 =	simm.s32 $_size_execute0_lowered;
	s4 =	sadd.s32 s4, s6;
	[dreg:$0x0] =	wrdreg $0x0  }
0xbd: {  	s6 =	sshll.u32 s28, $0x1;
	[dreg:$0x2] =	wrdreg s4  }
0xbe: {  	[dreg:$0x3] =	wrdreg s6  }
0xbf: {  	[dreg:$0x4] =	wrdreg $0xC0  }
0xc0: {  	_ =	task [dreg:s22], $0x5FFFF  }
0xc1: {  	[dreg:$0x1] =	wrdreg $0xFFFFFFFF  }
0xc2: {  	[dreg:$0x0] =	wrdreg $0x60  }
0xc3: {  	[dreg:$0x2] =	wrdreg s17  }
0xc4: {  	[dreg:$0x3] =	wrdreg s24  }
0xc5: {  	[dreg:$0x4] =	wrdreg $0xA  }
0xc6: {  	_ =	task.clear_ibuf [dreg:s22], $0x5FFFF;
	_ =	strace $0x90000049  }
0xc7: {  	s29 =	simm.s32 $0xA;
	_ =	strace $0x8000004B  }
0xc8: {  	_ =	swait.ge [sflag:s29], $0x1  }
0xc9: {  	[sflag:s29] =	ssyncadd.s32 $0xFFFFFFFF  }
0xca: {  	_ =	strace $0x9000004B  }
0xcb: {  	_ =	sfence  }
0xcc: {  	s30 =	sld [smem:$0x0];
	_ =	sdelay $0x2  }
0xcd: {  	s31 =	sshll.u32 s1, $0xD;
	s1 =	sshrl.u32 s1, $0x2  }
0xce: {  	s4 =	sand.u32 $0x4000, s31;
	s1 =	sadd.s32 s1, s30  }
0xcf: {  	s0 =	sor.u32 s4, s0;
	s1 =	sshll.u32 s1, $0x11  }
0xd0: {  	s0 =	sor.u32 s1, s0  }
0xd1: {  	s0 =	sadd.s32 $0x8F2B, s0  }
0xd2: {  	[sflag:s0] =	ssyncadd.remote.s32 $0x1  }
0xd3: {  	_ =	sfence.sel $0xFFFF  }
0xd4: {  	[dreg:$0x0] =	wrdreg $0xFFFFFFFF;
	(pc) =	sbr.abs _section_cstart, $3  }
0xd5: {  	[dreg:$0x1] =	wrdreg $0xFFFFFFFF  }
0xd6: {  	_ =	task.clear_ibuf [dreg:s22], $0x2FFFF;
	_ =	strace $0x9FFFFFFF  }
0xd7: {  	(tm) =	ssettm $0x7FFFFFFF  }
tec
execute0_lowered:
.L_overlay_start_1:
0x0: {  	(tag) =	ssettag $0x1  }
0x1: {  	s1 =	srdreg.scid  }
0x2: {  	s2 =	rddreg [dreg:$0x0];
	s0 =	stileid.u32;
	s13 =	sand.u32 $0x1, s1  }
0x3: {  	s3 =	rddreg [dreg:$0x1];
	s5 =	sshll.u32 s0, $0x8;
	s6 =	sshll.u32 s13, $0x7  }
0x4: {  	s4 =	simm.s32 $0x0;
	s1 =	rddreg [dreg:$0x2];
	s5 =	sor.u32 s6, s5  }
0x5: {  	[smem:$0x7FF] =	sst s4;
	s14 =	sadd.s32 s5, s3  }
0x6: {  	_ =	strace $0x8000004A;
	s5 =	simm.s32 $0x2;
	s6 =	sadd.s32 $0x5000, s14  }
0x7: {  	[tilespmem:s4], [sflag:$0x2] =	stream.linear.gather [hbm4b:s6+s4], $0x400, $0x38;
	[tilespmem:$0x1000] =	vst v63  }
0x8: {  	_ =	swait.ge [sflag:s5], $0x400  }
0x9: {  	[sflag:s5] =	ssyncset.done $0x0  }
0xa: {  	s7 =	simm.s32 $0x400;
	s8 =	simm.s32 $0x1;
	[sflag:s5] =	ssyncadd.s32 $0xFFFFFC00  }
0xb: {  	[tilespmem:s7], [sflag:$0x1] =	stream.indirect.gather [hbm4b:s2+s7], $0x1, s4, s7, $0xb8;
	[tilespmem:$0x1000] =	vst v63  }
0xc: {  	_ =	swait.ge [sflag:s8], $0x400  }
0xd: {  	[sflag:s8] =	ssyncset.done $0x0  }
0xe: {  	s10 =	simm.s32 $0x800;
	s9 =	sadd.s32 $0x1000, s3;
	[sflag:s8] =	ssyncadd.s32 $0xFFFFFC00  }
0xf: {  	[tilespmem:s10], [sflag:$0x1] =	stream.indirect.gather [hbm4b:s9+s7], $0x1, s4, s7, $0xb8;
	[tilespmem:$0x1000] =	vst v63  }
0x10: {  	_ =	swait.ge [sflag:s8], $0x400  }
0x11: {  	[sflag:s8] =	ssyncset.done $0x0  }
0x12: {  	s11 =	simm.s32 $0xC00;
	[sflag:s8] =	ssyncadd.s32 $0xFFFFFC00  }
0x13: {  	[tilespmem:s11], [sflag:$0x1] =	stream.indirect.gather [hbm4b:s3+s7], $0x1, s4, s7, $0xb8;
	[tilespmem:$0x1000] =	vst v63  }
0x14: {  	_ =	swait.ge [sflag:s8], $0x400  }
0x15: {  	[sflag:s8] =	ssyncset.done $0x0  }
0x16: {  	s15 =	ssub.s32 $0x2, s13;
	s12 =	sadd.s32 $0x6000, s14;
	[sflag:s8] =	ssyncadd.s32 $0xFFFFFC00  }
0x17: {  	[hbm4b:s12+s4] =	stream.linear.scatter [tilespmem:s7], [sflag:$0x2], $0x400, $0x38;
	[tilespmem:$0x1000] =	vst v63  }
0x18: {  	s16 =	sshrl.u32 s15, $0x1;
	_ =	swait.ge [sflag:s5], $0x400  }
0x19: {  	s15 =	ssub.s32 s15, s16;
	[sflag:s5] =	ssyncset.done $0x0  }
0x1a: {  	s13 =	sadd.s32 $0x7000, s14;
	s15 =	smax.u32 s15, $0x1;
	[sflag:s5] =	ssyncadd.s32 $0xFFFFFC00  }
0x1b: {  	[hbm4b:s13+s4] =	stream.linear.scatter [tilespmem:s10], [sflag:$0x2], $0x400, $0x38;
	[tilespmem:$0x1000] =	vst v63  }
0x1c: {  	p0 =	sne.s32 s15, $0x1;
	_ =	swait.ge [sflag:s5], $0x400  }
.Ltmp0:
0x1d: {  	[sflag:s5] =	ssyncset.done $0x0;
	(pc) =	sbr.rel @!p0 .LBB2_2-.Ltmp0, $4  }
0x1e: {  	s14 =	sadd.s32 $0x8000, s14;
	[sflag:s5] =	ssyncadd.s32 $0xFFFFFC00  }
0x1f: {  	[hbm4b:s14+s4] =	stream.linear.scatter [tilespmem:s11], [sflag:$0x2], $0x400, $0x38;
	[tilespmem:$0x1000] =	vst v63  }
0x20: {  	_ =	swait.ge [sflag:s5], $0x400  }
0x21: {  	s15 =	sadd.s32 $0xFFFFFFFF, s15;
	[sflag:s5] =	ssyncset.done $0x0  }
.LBB2_1:
0x22: {  	p0 =	sne.s32 s15, $0x1;
	s15 =	sadd.s32 $0xFFFFFFFF, s15;
	[sflag:s5] =	ssyncadd.s32 $0xFFFFFC00  }
0x23: {  	[tilespmem:s4], [sflag:$0x2] =	stream.linear.gather [hbm4b:s6+s4], $0x400, $0x38;
	[tilespmem:$0x1000] =	vst v63  }
0x24: {  	_ =	swait.ge [sflag:s5], $0x400  }
0x25: {  	[sflag:s5] =	ssyncset.done $0x0  }
0x26: {  	[sflag:s5] =	ssyncadd.s32 $0xFFFFFC00  }
0x27: {  	[tilespmem:s7], [sflag:$0x1] =	stream.indirect.gather [hbm4b:s2+s7], $0x1, s4, s7, $0xb8;
	[tilespmem:$0x1000] =	vst v63  }
0x28: {  	_ =	swait.ge [sflag:s8], $0x400  }
0x29: {  	[sflag:s8] =	ssyncset.done $0x0  }
0x2a: {  	[sflag:s8] =	ssyncadd.s32 $0xFFFFFC00  }
0x2b: {  	[tilespmem:s10], [sflag:$0x1] =	stream.indirect.gather [hbm4b:s9+s7], $0x1, s4, s7, $0xb8;
	[tilespmem:$0x1000] =	vst v63  }
0x2c: {  	_ =	swait.ge [sflag:s8], $0x400  }
0x2d: {  	[sflag:s8] =	ssyncset.done $0x0  }
0x2e: {  	[sflag:s8] =	ssyncadd.s32 $0xFFFFFC00  }
0x2f: {  	[tilespmem:s11], [sflag:$0x1] =	stream.indirect.gather [hbm4b:s3+s7], $0x1, s4, s7, $0xb8;
	[tilespmem:$0x1000] =	vst v63  }
0x30: {  	_ =	swait.ge [sflag:s8], $0x400  }
0x31: {  	[sflag:s8] =	ssyncset.done $0x0  }
0x32: {  	[sflag:s8] =	ssyncadd.s32 $0xFFFFFC00  }
0x33: {  	[hbm4b:s12+s4] =	stream.linear.scatter [tilespmem:s7], [sflag:$0x2], $0x400, $0x38;
	[tilespmem:$0x1000] =	vst v63  }
0x34: {  	_ =	swait.ge [sflag:s5], $0x400  }
0x35: {  	[sflag:s5] =	ssyncset.done $0x0  }
0x36: {  	[sflag:s5] =	ssyncadd.s32 $0xFFFFFC00  }
0x37: {  	[hbm4b:s13+s4] =	stream.linear.scatter [tilespmem:s10], [sflag:$0x2], $0x400, $0x38;
	[tilespmem:$0x1000] =	vst v63  }
0x38: {  	_ =	swait.ge [sflag:s5], $0x400  }
.Ltmp1:
0x39: {  	[sflag:s5] =	ssyncset.done $0x0;
	(pc) =	sbr.rel @p0 .LBB2_1-.Ltmp1, $4  }
0x3a: {  	[sflag:s5] =	ssyncadd.s32 $0xFFFFFC00  }
0x3b: {  	[hbm4b:s14+s4] =	stream.linear.scatter [tilespmem:s11], [sflag:$0x2], $0x400, $0x38;
	[tilespmem:$0x1000] =	vst v63  }
0x3c: {  	_ =	swait.ge [sflag:s5], $0x400  }
0x3d: {  	[sflag:s5] =	ssyncset.done $0x0  }
.LBB2_2:
0x3e: {  	[sflag:s5] =	ssyncadd.s32 $0xFFFFFC00  }
0x3f: {  	_ =	sfence.sel $0x180000  }
0x40: {  	[bflag:$0x0] =	sbarrier.arrive $0xFFFF  }
0x41: {  	p0 =	sne.s32 s0, $0x0;
	_ =	strace $0x9000004A  }
0x42: {  	s0 =	sadd.s32 @!p0 $0x100000, s1;
	[bflag:$0x2] =	sbarrier.arrive $0xFFFF  }
0x43: {  	[sflag:s0] =	ssyncadd.tile.s32 @!p0 $0x1;
	_ =	shalt  }
.Lfunc_end2:
_tile_overlayer_lowered:
.L_overlay_start_2:
0x44: {  	(tag) =	ssettag $0x2  }
0x45: {  	s0 =	rddreg [dreg:$0x0];
	s2 =	stileid.u32  }
0x46: {  	s1 =	rddreg [dreg:$0x1];
	p0 =	sne.s32 s2, $0x0  }
0x47: {  	s3 =	rddreg [dreg:$0x2];
	[bflag:$0x3] =	sbarrier.arrive $0xFFFF;
	s2 =	simm.s32 @!p0 $0x1C02  }
0x48: {  	[timem:s3], [sflag:s2] =	dma.local @!p0 [hbm:s0], s1  }
0x49: {  	s0 =	simm.s32 @!p0 $0x2  }
0x4a: {  	_ =	swait.ge @!p0 [sflag:s0], s1  }
0x4b: {  	s1 =	ssub.s32 @!p0 $0x0, s1;
	[sflag:s0] =	ssyncset.done @!p0 $0x0  }
0x4c: {  	[sflag:s0] =	ssyncadd.s32 @!p0 s1  }
0x4d: {  	[bflag:$0x3] =	sbarrier.arrive $0xFFFF  }
0x4e: {  	_ =	shalt  }

// kernel: kernel.7.cloned.1.call-start
scs
__scs_entry_jumppad:
0x0: {  	(pc) =	sbr.rel $0x88, $3  }
0x1: {  	(tag) =	ssettag $0x0;
	lr =	simm.s32 $0x1  }
0x2: {  	[smem:$0x3F98] =	sst lr;
	_ =	strace $0xD0000000  }
0x3: {  	_ = 	snop  }
0x4: {  	_ = 	snop  }
0x5: {  	_ = 	snop  }
0x6: {  	_ = 	snop  }
0x7: {  	_ = 	snop  }
__scs_overlays_trampoline_lowered:
0x8: {  	[smem:$0x3FA7] =	sst s0  }
0x9: {  	[smem:$0x3FA8] =	sst s1  }
0xa: {  	[smem:$0x3FA9] =	sst s2  }
0xb: {  	[smem:$0x3FAA] =	sst s3  }
0xc: {  	[smem:$0x3FAB] =	sst s4  }
0xd: {  	[smem:$0x3FAC] =	sst s5  }
0xe: {  	[smem:$0x3FAD] =	sst s6  }
0xf: {  	[smem:$0x3FAE] =	sst s7  }
0x10: {  	[smem:$0x3FAF] =	sst s8  }
0x11: {  	[smem:$0x3FB0] =	sst s9;
	s0 =	simm.s32 @!p0 $0x0  }
0x12: {  	s1 =	sld [smem:$0x3F96];
	s0 =	simm.s32 @p0 $0x1  }
0x13: {  	[smem:$0x3FB1] =	sst s0;
	s0 =	simm.s32 @!p1 $0x0  }
0x14: {  	s2 =	sld [smem:$0x3F95];
	s0 =	simm.s32 @p1 $0x1  }
0x15: {  	[smem:$0x3FB2] =	sst s0;
	s0 =	simm.s32 @!p2 $0x0  }
0x16: {  	s3 =	sld [smem:$0x3FDB];
	s0 =	simm.s32 @p2 $0x1  }
0x17: {  	s4 =	simm.s32 $0x1BF5;
	[smem:$0x3FB4] =	sst s0  }
0x18: {  	s0 =	sld [smem:$0x3F97];
	_ =	swait.ge [sflag:s4], $0x0  }
0x19: {  	s7 =	sld [smem:$0x3F98]  }
0x1a: {  	s8 =	sadd.s32 $0xFFFFE003, lr  }
0x1b: {  	s9 =	sadd.s32 $0xFFFFFEF7, lr;
	s5 =	simm.s32 $0xFFFFFFFF;
	p2 =	slt.u32 s8, $0xFFFFF086  }
0x1c: {  	p1 =	slt.u32 s9, $0xF7A;
	s5 =	simm.s32 @!p2 $0x0  }
0x1d: {  	s5 =	simm.s32 @p1 $0x1;
	p0 =	seq.s32 s7, s2  }
0x1e: {  	s7 =	smul.u32 @!p0 $0xF7A, s2;
	p2 =	seq.s32 @!p0 s5, $0x0  }
0x1f: {  	s9 =	smul.u32 $0xF7A, s1;
	s8 =	simm.s32 @!p0 $0x1BF5;
	p2 =	por !p2, p0  }
0x20: {  	[sflag:s8] =	ssyncset.s32 @!p0 $0xFFFFF086;
	s6 =	sadd.s32 @!p0 s3, s7;
	s7 =	simm.s32 @!p0 $0x108  }
0x21: {  	s3 =	sadd.s32 s3, s9;
	s6 =	sadd.s32 @!p0 $0x88, s6;
	s7 =	simm.s32 @p2 $0x1082  }
0x22: {  	[simem:s7], [sflag:s8] =	dma.local @!p0 [hbm:s6], $0xF7A  }
0x23: {  	s9 =	sor.u32 $0xD0000000, s2;
	s6 =	simm.s32 $0x108;
	_ =	swait.ge @!p0 [sflag:s8], $0x0  }
0x24: {  	s3 =	sadd.s32 $0x88, s3;
	s6 =	simm.s32 @!p1 $0x1082;
	[sflag:s4] =	ssyncset.s32 $0xFFFFF086  }
0x25: {  	[simem:s6], [sflag:s4] =	dma.local [hbm:s3], $0xF7A  }
0x26: {  	[smem:$0x3F98] =	sst s1;
	(tag) =	ssettag s2;
	_ =	strace s9  }
0x27: {  	s1 =	sld [smem:$0x3FA8]  }
0x28: {  	s2 =	sld [smem:$0x3FA9]  }
0x29: {  	s4 =	sld [smem:$0x3FAB]  }
0x2a: {  	p0 =	seq.s32 s5, $0x0;
	s5 =	sld [smem:$0x3FAC]  }
0x2b: {  	s6 =	sld [smem:$0x3FAD]  }
0x2c: {  	s7 =	sld [smem:$0x3FAE]  }
0x2d: {  	s3 =	simm.s32 $0x108;
	s8 =	sld [smem:$0x3FAF]  }
0x2e: {  	s3 =	simm.s32 @!p0 $0x1082;
	s9 =	sld [smem:$0x3FB0]  }
0x2f: {  	lr =	sadd.s32 s0, s3;
	s0 =	sld [smem:$0x3FA7]  }
0x30: {  	s3 =	sld [smem:$0x3FAA]  }
0x31: {  	[smem:$0x3FB3] =	sst s10  }
0x32: {  	s10 =	sld [smem:$0x3FB1];
	_ =	sdelay $0x3  }
0x33: {  	p0 =	seq.s32 s10, $0x1;
	s10 =	sld [smem:$0x3FB3];
	_ =	sdelay $0x3  }
0x34: {  	[smem:$0x3FB3] =	sst s10  }
0x35: {  	s10 =	sld [smem:$0x3FB2];
	_ =	sdelay $0x3  }
0x36: {  	p1 =	seq.s32 s10, $0x1;
	s10 =	sld [smem:$0x3FB3];
	_ =	sdelay $0x3  }
0x37: {  	[smem:$0x3FB3] =	sst s10  }
0x38: {  	s10 =	sld [smem:$0x3FB4]  }
0x39: {  	_ = 	snop;
	(pc) =	sbr.ind lr, $3  }
0x3a: {  	_ = 	snop  }
0x3b: {  	_ = 	snop  }
0x3c: {  	p2 =	seq.s32 s10, $0x1;
	s10 =	sld [smem:$0x3FB3]  }
0x3d: {  	_ =	shalt  }
0x3e: {  	_ =	shalt  }
0x3f: {  	_ =	shalt  }
0x40: {  	_ =	shalt  }
0x41: {  	_ =	shalt  }
0x42: {  	_ =	shalt  }
0x43: {  	_ =	shalt  }
0x44: {  	_ =	shalt  }
0x45: {  	_ =	shalt  }
0x46: {  	_ =	shalt  }
0x47: {  	_ =	shalt  }
0x48: {  	_ =	shalt  }
0x49: {  	_ =	shalt  }
0x4a: {  	_ =	shalt  }
0x4b: {  	_ =	shalt  }
0x4c: {  	_ =	shalt  }
0x4d: {  	_ =	shalt  }
0x4e: {  	_ =	shalt  }
0x4f: {  	_ =	shalt  }
0x50: {  	_ =	shalt  }
0x51: {  	_ =	shalt  }
0x52: {  	_ =	shalt  }
0x53: {  	_ =	shalt  }
0x54: {  	_ =	shalt  }
0x55: {  	_ =	shalt  }
0x56: {  	_ =	shalt  }
0x57: {  	_ =	shalt  }
0x58: {  	_ =	shalt  }
0x59: {  	_ =	shalt  }
0x5a: {  	_ =	shalt  }
0x5b: {  	_ =	shalt  }
0x5c: {  	_ =	shalt  }
0x5d: {  	_ =	shalt  }
0x5e: {  	_ =	shalt  }
0x5f: {  	_ =	shalt  }
0x60: {  	_ =	shalt  }
0x61: {  	_ =	shalt  }
0x62: {  	_ =	shalt  }
0x63: {  	_ =	shalt  }
0x64: {  	_ =	shalt  }
0x65: {  	_ =	shalt  }
0x66: {  	_ =	shalt  }
0x67: {  	_ =	shalt  }
0x68: {  	_ =	shalt  }
0x69: {  	_ =	shalt  }
0x6a: {  	_ =	shalt  }
0x6b: {  	_ =	shalt  }
0x6c: {  	_ =	shalt  }
0x6d: {  	_ =	shalt  }
0x6e: {  	_ =	shalt  }
0x6f: {  	_ =	shalt  }
0x70: {  	_ =	shalt  }
0x71: {  	_ =	shalt  }
0x72: {  	_ =	shalt  }
0x73: {  	_ =	shalt  }
0x74: {  	_ =	shalt  }
0x75: {  	_ =	shalt  }
0x76: {  	_ =	shalt  }
0x77: {  	_ =	shalt  }
0x78: {  	_ =	shalt  }
0x79: {  	_ =	shalt  }
0x7a: {  	_ =	shalt  }
0x7b: {  	_ =	shalt  }
0x7c: {  	_ =	shalt  }
0x7d: {  	_ =	shalt  }
0x7e: {  	_ =	shalt  }
0x7f: {  	_ =	shalt  }
0x80: {  	_ =	shalt  }
0x81: {  	_ =	shalt  }
0x82: {  	_ =	shalt  }
0x83: {  	_ =	shalt  }
0x84: {  	_ =	shalt  }
0x85: {  	_ =	shalt  }
0x86: {  	_ =	shalt  }
0x87: {  	_ =	shalt  }
.Lfunc_end0:
.L_simem_size_0:
called_computation_lowered:
.L_overlay_start_0:
0x88: {  	s2 =	sld [smem:$0x3FD9]  }
0x89: {  	s3 =	sld [smem:$0x3FFE];
	_ =	sdelay $0x1  }
0x8a: {  	s1 =	srdreg.scid  }
0x8b: {  	s0 =	sand.u32 $0x1, s1  }
0x8c: {  	s14 =	sshll.u32 s0, $0xA;
	s2 =	sadd.s32 s3, s2  }
0x8d: {  	s2 =	sadd.s32 s2, s14  }
0x8e: {  	[smem:$0x3FBF] =	sst s2  }
0x8f: {  	_ = 	snop  }
0x90: {  	s2 =	sld [smem:$0x3FD0];
	_ =	sdelay $0x2  }
0x91: {  	s15 =	simm.s32 $0xB;
	s4 =	simm.s32 $0x10  }
0x92: {  	[smem:s4], [sflag:s15] =	dma.local [hbm:s2], $0x1  }
0x93: {  	_ =	swait.eq [sflag:s15], $0x1  }
0x94: {  	[sflag:s15] =	ssyncset.done $0x0  }
0x95: {  	s16 =	sld [smem:$0x10];
	[sflag:s15] =	ssyncadd.s32 $0xFFFFFFFF  }
0x96: {  	s17 =	sld [smem:$0x12];
	(tm) =	ssettm $0x1  }
0x97: {  	s18 =	sld [smem:$0x3FFB];
	_ =	sdelay $0x3  }
0x98: {  	_ =	strace s18  }
0x99: {  	s4 =	sld [smem:$0x3FFC];
	_ =	sdelay $0x3  }
0x9a: {  	_ =	strace s4  }
0x9b: {  	s4 =	sld [smem:$0x3FFD];
	_ =	sdelay $0x3  }
0x9c: {  	_ =	strace s4  }
0x9d: {  	_ =	strace $0x8FFFFFFF  }
0x9e: {  	s19 =	sld [smem:$0x3FDB];
	_ =	sdelay $0x1  }
0x9f: {  	s5 =	simm.s32 $_scs_section_size  }
0xa0: {  	s6 =	simm.s32 $_size__tile_overlayer_lowered;
	s7 =	simm.s32 $_tile_overlayer_lowered  }
0xa1: {  	s22 =	simm.s32 $0x1BFF;
	s21 =	sshll.u32 s7, $0x1;
	s4 =	sadd.s32 s5, s19  }
0xa2: {  	s8 =	simm.s32 $0x0;
	s20 =	sshll.u32 s6, $0x1;
	s6 =	sadd.s32 s21, s4  }
0xa3: {  	[timem:s8], [sflag:s22] =	dma.local [hbm:s6], s20  }
0xa4: {  	_ =	swait.ge [sflag:s22], s20  }
0xa5: {  	s5 =	ssub.s32 $0x0, s20;
	[sflag:s22] =	ssyncset.done $0x0  }
0xa6: {  	[sflag:s22] =	ssyncadd.s32 s5;
	_ =	sdelay $0x1  }
0xa7: {  	s23 =	simm.s32 $0x1B8B  }
0xa8: {  	_ =	swait.ge [sflag:s23], $0x1  }
0xa9: {  	[sflag:s23] =	ssyncset.done $0x0  }
0xaa: {  	s25 =	simm.s32 $0x1B8E;
	s24 =	sld [smem:$0x3FFE];
	[sflag:s23] =	ssyncadd.s32 $0xFFFFFFFF  }
0xab: {  	s26 =	simm.s32 $execute0_lowered;
	[smem:$0x3FD2] =	sst s25  }
0xac: {  	s6 =	sshll.u32 s26, $0x1;
	_ =	strace $0x80000046;
	[dreg:$0x1] =	wrdreg $0xFFFFFFFF  }
0xad: {  	s28 =	simm.s32 $_size_execute0_lowered;
	s4 =	sadd.s32 s4, s6;
	[dreg:$0x0] =	wrdreg $0x0  }
0xae: {  	s6 =	sshll.u32 s28, $0x1;
	[dreg:$0x2] =	wrdreg s4  }
0xaf: {  	[dreg:$0x3] =	wrdreg s6  }
0xb0: {  	[dreg:$0x4] =	wrdreg $0xC0  }
0xb1: {  	_ =	task [dreg:s8], $0x5FFFF  }
0xb2: {  	[dreg:$0x1] =	wrdreg $0xFFFFFFFF  }
0xb3: {  	[dreg:$0x0] =	wrdreg $0x60  }
0xb4: {  	[dreg:$0x2] =	wrdreg s17  }
0xb5: {  	[dreg:$0x3] =	wrdreg s24  }
0xb6: {  	[dreg:$0x4] =	wrdreg s16  }
0xb7: {  	[dreg:$0x5] =	wrdreg $0x9  }
0xb8: {  	_ =	task.clear_ibuf [dreg:s8], $0x6FFFF;
	_ =	strace $0x90000046  }
0xb9: {  	s29 =	simm.s32 $0x9;
	_ =	strace $0x80000048  }
0xba: {  	_ =	swait.ge [sflag:s29], $0x1  }
0xbb: {  	[sflag:s29] =	ssyncadd.s32 $0xFFFFFFFF  }
0xbc: {  	_ =	strace $0x90000048  }
0xbd: {  	_ =	sfence  }
0xbe: {  	s30 =	sld [smem:$0x0];
	_ =	sdelay $0x2  }
0xbf: {  	s31 =	sshll.u32 s1, $0xD;
	s1 =	sshrl.u32 s1, $0x2  }
0xc0: {  	s3 =	sand.u32 $0x4000, s31;
	s1 =	sadd.s32 s1, s30  }
0xc1: {  	s0 =	sor.u32 s3, s0;
	s1 =	sshll.u32 s1, $0x11  }
0xc2: {  	s0 =	sor.u32 s1, s0  }
0xc3: {  	s0 =	sadd.s32 $0x8F2B, s0  }
0xc4: {  	[sflag:s0] =	ssyncadd.remote.s32 $0x1  }
0xc5: {  	_ =	sfence.sel $0xFFFF  }
0xc6: {  	[dreg:$0x0] =	wrdreg $0xFFFFFFFF;
	(pc) =	sbr.abs _section_cstart, $3  }
0xc7: {  	[dreg:$0x1] =	wrdreg $0xFFFFFFFF  }
0xc8: {  	_ =	task.clear_ibuf [dreg:s8], $0x2FFFF;
	_ =	strace $0x9FFFFFFF  }
0xc9: {  	(tm) =	ssettm $0x7FFFFFFF  }
tec
execute0_lowered:
.L_overlay_start_1:
0x0: {  	(tag) =	ssettag $0x1  }
0x1: {  	s2 =	rddreg [dreg:$0x0]  }
0x2: {  	s3 =	rddreg [dreg:$0x1]  }
0x3: {  	s5 =	rddreg [dreg:$0x2];
	s4 =	srdreg.scid  }
0x4: {  	s0 =	rddreg [dreg:$0x3];
	s1 =	stileid.u32;
	s13 =	sand.u32 $0x1, s4  }
0x5: {  	s4 =	simm.s32 $0x0;
	s6 =	sshll.u32 s1, $0x8;
	s7 =	sshll.u32 s13, $0x7  }
0x6: {  	[smem:$0x7FF] =	sst s4;
	s12 =	sor.u32 s7, s6  }
0x7: {  	_ =	strace $0x80000047;
	s6 =	sadd.s32 s5, s12;
	s5 =	simm.s32 $0x2  }
0x8: {  	[tilespmem:s4], [sflag:$0x2] =	stream.linear.gather [hbm4b:s6+s4], $0x400, $0x38;
	[tilespmem:$0x1000] =	vst v63  }
0x9: {  	_ =	swait.ge [sflag:s5], $0x400  }
0xa: {  	[sflag:s5] =	ssyncset.done $0x0  }
0xb: {  	s8 =	simm.s32 $0x1;
	s7 =	simm.s32 $0x400;
	[sflag:s5] =	ssyncadd.s32 $0xFFFFFC00  }
0xc: {  	[tilespmem:s7], [sflag:$0x1] =	stream.indirect.gather [hbm4b:s2+s7], $0x1, s4, s7, $0xb8;
	[tilespmem:$0x1000] =	vst v63  }
0xd: {  	_ =	swait.ge [sflag:s8], $0x400  }
0xe: {  	[sflag:s8] =	ssyncset.done $0x0  }
0xf: {  	s10 =	simm.s32 $0x800;
	s9 =	sadd.s32 $0x1000, s3;
	[sflag:s8] =	ssyncadd.s32 $0xFFFFFC00  }
0x10: {  	[tilespmem:s10], [sflag:$0x1] =	stream.indirect.gather [hbm4b:s9+s7], $0x1, s4, s7, $0xb8;
	[tilespmem:$0x1000] =	vst v63  }
0x11: {  	_ =	swait.ge [sflag:s8], $0x400  }
0x12: {  	[sflag:s8] =	ssyncset.done $0x0  }
0x13: {  	s11 =	simm.s32 $0xC00;
	[sflag:s8] =	ssyncadd.s32 $0xFFFFFC00  }
0x14: {  	[tilespmem:s11], [sflag:$0x1] =	stream.indirect.gather [hbm4b:s3+s7], $0x1, s4, s7, $0xb8;
	[tilespmem:$0x1000] =	vst v63  }
0x15: {  	_ =	swait.ge [sflag:s8], $0x400  }
0x16: {  	s14 =	sadd.s32 s12, s3;
	[sflag:s8] =	ssyncset.done $0x0  }
0x17: {  	s15 =	ssub.s32 $0x2, s13;
	s12 =	sadd.s32 $0x2000, s14;
	[sflag:s8] =	ssyncadd.s32 $0xFFFFFC00  }
0x18: {  	[hbm4b:s12+s4] =	stream.linear.scatter [tilespmem:s7], [sflag:$0x2], $0x400, $0x38;
	[tilespmem:$0x1000] =	vst v63  }
0x19: {  	s16 =	sshrl.u32 s15, $0x1;
	_ =	swait.ge [sflag:s5], $0x400  }
0x1a: {  	s15 =	ssub.s32 s15, s16;
	[sflag:s5] =	ssyncset.done $0x0  }
0x1b: {  	s13 =	sadd.s32 $0x3000, s14;
	s15 =	smax.u32 s15, $0x1;
	[sflag:s5] =	ssyncadd.s32 $0xFFFFFC00  }
0x1c: {  	[hbm4b:s13+s4] =	stream.linear.scatter [tilespmem:s10], [sflag:$0x2], $0x400, $0x38;
	[tilespmem:$0x1000] =	vst v63  }
0x1d: {  	p0 =	sne.s32 s15, $0x1;
	_ =	swait.ge [sflag:s5], $0x400  }
.Ltmp0:
0x1e: {  	[sflag:s5] =	ssyncset.done $0x0;
	(pc) =	sbr.rel @!p0 .LBB2_2-.Ltmp0, $4  }
0x1f: {  	s14 =	sadd.s32 $0x4000, s14;
	[sflag:s5] =	ssyncadd.s32 $0xFFFFFC00  }
0x20: {  	[hbm4b:s14+s4] =	stream.linear.scatter [tilespmem:s11], [sflag:$0x2], $0x400, $0x38;
	[tilespmem:$0x1000] =	vst v63  }
0x21: {  	_ =	swait.ge [sflag:s5], $0x400  }
0x22: {  	s15 =	sadd.s32 $0xFFFFFFFF, s15;
	[sflag:s5] =	ssyncset.done $0x0  }
.LBB2_1:
0x23: {  	p0 =	sne.s32 s15, $0x1;
	s15 =	sadd.s32 $0xFFFFFFFF, s15;
	[sflag:s5] =	ssyncadd.s32 $0xFFFFFC00  }
0x24: {  	[tilespmem:s4], [sflag:$0x2] =	stream.linear.gather [hbm4b:s6+s4], $0x400, $0x38;
	[tilespmem:$0x1000] =	vst v63  }
0x25: {  	_ =	swait.ge [sflag:s5], $0x400  }
0x26: {  	[sflag:s5] =	ssyncset.done $0x0  }
0x27: {  	[sflag:s5] =	ssyncadd.s32 $0xFFFFFC00  }
0x28: {  	[tilespmem:s7], [sflag:$0x1] =	stream.indirect.gather [hbm4b:s2+s7], $0x1, s4, s7, $0xb8;
	[tilespmem:$0x1000] =	vst v63  }
0x29: {  	_ =	swait.ge [sflag:s8], $0x400  }
0x2a: {  	[sflag:s8] =	ssyncset.done $0x0  }
0x2b: {  	[sflag:s8] =	ssyncadd.s32 $0xFFFFFC00  }
0x2c: {  	[tilespmem:s10], [sflag:$0x1] =	stream.indirect.gather [hbm4b:s9+s7], $0x1, s4, s7, $0xb8;
	[tilespmem:$0x1000] =	vst v63  }
0x2d: {  	_ =	swait.ge [sflag:s8], $0x400  }
0x2e: {  	[sflag:s8] =	ssyncset.done $0x0  }
0x2f: {  	[sflag:s8] =	ssyncadd.s32 $0xFFFFFC00  }
0x30: {  	[tilespmem:s11], [sflag:$0x1] =	stream.indirect.gather [hbm4b:s3+s7], $0x1, s4, s7, $0xb8;
	[tilespmem:$0x1000] =	vst v63  }
0x31: {  	_ =	swait.ge [sflag:s8], $0x400  }
0x32: {  	[sflag:s8] =	ssyncset.done $0x0  }
0x33: {  	[sflag:s8] =	ssyncadd.s32 $0xFFFFFC00  }
0x34: {  	[hbm4b:s12+s4] =	stream.linear.scatter [tilespmem:s7], [sflag:$0x2], $0x400, $0x38;
	[tilespmem:$0x1000] =	vst v63  }
0x35: {  	_ =	swait.ge [sflag:s5], $0x400  }
0x36: {  	[sflag:s5] =	ssyncset.done $0x0  }
0x37: {  	[sflag:s5] =	ssyncadd.s32 $0xFFFFFC00  }
0x38: {  	[hbm4b:s13+s4] =	stream.linear.scatter [tilespmem:s10], [sflag:$0x2], $0x400, $0x38;
	[tilespmem:$0x1000] =	vst v63  }
0x39: {  	_ =	swait.ge [sflag:s5], $0x400  }
.Ltmp1:
0x3a: {  	[sflag:s5] =	ssyncset.done $0x0;
	(pc) =	sbr.rel @p0 .LBB2_1-.Ltmp1, $4  }
0x3b: {  	[sflag:s5] =	ssyncadd.s32 $0xFFFFFC00  }
0x3c: {  	[hbm4b:s14+s4] =	stream.linear.scatter [tilespmem:s11], [sflag:$0x2], $0x400, $0x38;
	[tilespmem:$0x1000] =	vst v63  }
0x3d: {  	_ =	swait.ge [sflag:s5], $0x400  }
0x3e: {  	[sflag:s5] =	ssyncset.done $0x0  }
.LBB2_2:
0x3f: {  	[sflag:s5] =	ssyncadd.s32 $0xFFFFFC00  }
0x40: {  	_ =	sfence.sel $0x180000  }
0x41: {  	[bflag:$0x0] =	sbarrier.arrive $0xFFFF  }
0x42: {  	p0 =	sne.s32 s1, $0x0;
	_ =	strace $0x90000047  }
0x43: {  	s0 =	sadd.s32 @!p0 $0x100000, s0;
	[bflag:$0x2] =	sbarrier.arrive $0xFFFF  }
0x44: {  	[sflag:s0] =	ssyncadd.tile.s32 @!p0 $0x1;
	_ =	shalt  }
.Lfunc_end2:
_tile_overlayer_lowered:
.L_overlay_start_2:
0x45: {  	(tag) =	ssettag $0x2  }
0x46: {  	s0 =	rddreg [dreg:$0x0];
	s2 =	stileid.u32  }
0x47: {  	s1 =	rddreg [dreg:$0x1];
	p0 =	sne.s32 s2, $0x0  }
0x48: {  	s3 =	rddreg [dreg:$0x2];
	[bflag:$0x3] =	sbarrier.arrive $0xFFFF;
	s2 =	simm.s32 @!p0 $0x1C02  }
0x49: {  	[timem:s3], [sflag:s2] =	dma.local @!p0 [hbm:s0], s1  }
0x4a: {  	s0 =	simm.s32 @!p0 $0x2  }
0x4b: {  	_ =	swait.ge @!p0 [sflag:s0], s1  }
0x4c: {  	s1 =	ssub.s32 @!p0 $0x0, s1;
	[sflag:s0] =	ssyncset.done @!p0 $0x0  }
0x4d: {  	[sflag:s0] =	ssyncadd.s32 @!p0 s1  }
0x4e: {  	[bflag:$0x3] =	sbarrier.arrive $0xFFFF  }
0x4f: {  	_ =	shalt  }

</sc_bundles>
